<compile_context>
chip_gen: v7x
topology: tpu7x:2x2x1
jax: 0.10.2.dev20260603
libtpu: 0.0.44.dev20260713+nightly
codegen_flags: <defaults>
</compile_context>

<pallas_src>
import functools

import jax
import jax.numpy as jnp
from jax import lax
from jax.experimental import pallas as pl
from jax.experimental.pallas import tpu as pltpu
from jax.experimental.pallas import tpu_sc as plsc

_LANES = 16
_REC = 128


@functools.cache
def _build(num_emb, dim, batch):
    mesh = plsc.VectorSubcoreMesh(core_axis_name="c", subcore_axis_name="s")
    nc, ns = mesh.num_cores, mesh.num_subcores
    nw = nc * ns
    n_tiles = (num_emb + 127) // 128
    tpw = (n_tiles + nw - 1) // nw
    ntl = ((tpw + 2 * _LANES) // _LANES) * _LANES
    n_groups = batch // _LANES

    @functools.partial(
        pl.kernel,
        mesh=mesh,
        out_type=jax.ShapeDtypeStruct((batch + _REC, _REC), jnp.float32),
        scratch_types=[
            pltpu.VMEM((batch,), jnp.int32),
            pltpu.VMEM((batch + 2 * _LANES,), jnp.int32),
            pltpu.VMEM((batch + _LANES,), jnp.int32),
            pltpu.VMEM((ntl,), jnp.int32),
            pltpu.VMEM((ntl,), jnp.int32),
            pltpu.VMEM((ntl,), jnp.int32),
            pltpu.VMEM((ntl,), jnp.int32),
            pltpu.VMEM((4, dim, 128), jnp.float32),
            pltpu.VMEM((_REC, _REC), jnp.float32),
            pltpu.VMEM((_REC,), jnp.int32),
            pltpu.SemaphoreType.DMA,
        ],
        compiler_params=pltpu.CompilerParams(needs_layout_passes=False),
    )
    def produce(idx_hbm, tab_t_hbm, rec_hbm, idx_v, hit_v, srt_v, cnt_v,
                off_v, run_v, tlist_v, blk_v, loc_v, locjj_v, fsem):
        sc = lax.axis_index("c")
        u = lax.axis_index("s")
        w = u * nc + sc
        lanes = lax.iota(jnp.int32, _LANES)
        ones = jnp.ones((_LANES,), jnp.int32)
        zeros = jnp.zeros((_LANES,), jnp.int32)
        lo = w * tpw
        hi = jnp.minimum(lo + tpw, n_tiles)

        pltpu.sync_copy(idx_hbm, idx_v)

        def reset_dests(_g, carry):
            locjj_v[pl.ds(_g * _LANES, _LANES)] = batch + _g * _LANES + lanes
            return carry

        lax.fori_loop(0, _REC // _LANES, reset_dests, 0)

        def zero_body(g, carry):
            cnt_v[pl.ds(g * _LANES, _LANES)] = zeros
            return carry

        lax.fori_loop(0, ntl // _LANES, zero_body, 0)

        def scan_body(g, nh):
            s = idx_v[pl.ds(g * _LANES, _LANES)]
            t = lax.shift_right_logical(s, 7)
            m = (t >= lo) & (t < hi)
            pc = plsc.all_reduce_population_count(m)[0]
            tl = jnp.clip(t - lo, 0, ntl - 1)
            rec = (tl << 21) | ((g * _LANES + lanes) << 7) | (s & 127)
            plsc.store_compressed(hit_v.at[pl.ds(nh + _LANES, _LANES)], rec,
                                  mask=m)
            plsc.addupdate_scatter(cnt_v, [tl], ones, mask=m)
            return nh + pc

        nhits = lax.fori_loop(0, n_groups, scan_body, 0)
        nhg = (nhits + _LANES - 1) // _LANES

        def prefix_body(g, carry):
            base, nm = carry
            c = cnt_v[pl.ds(g * _LANES, _LANES)]
            inc = plsc.cumsum(c)
            excl = base + inc - c
            off_v[pl.ds(g * _LANES, _LANES)] = excl
            run_v[pl.ds(g * _LANES, _LANES)] = excl
            m = c > 0
            pc = plsc.all_reduce_population_count(m)[0]
            plsc.store_compressed(tlist_v.at[pl.ds(nm, _LANES)],
                                  g * _LANES + lanes, mask=m)
            return base + inc[_LANES - 1], nm + pc

        _, nmarked = lax.fori_loop(0, ntl // _LANES, prefix_body, (0, 0))

        def sort_body(g, carry):
            r = hit_v[pl.ds(_LANES + g * _LANES, _LANES)]
            t = lax.shift_right_logical(r, 21)
            valid = (g * _LANES + lanes) < nhits
            rank = zeros
            for sh in range(1, _LANES):
                r_sh = hit_v[pl.ds(_LANES + g * _LANES - sh, _LANES)]
                t_sh = lax.shift_right_logical(r_sh, 21)
                rank = rank + jnp.where((t == t_sh) & (lanes >= sh), 1, 0)
            tc = jnp.clip(t, 0, ntl - 1)
            pos = plsc.load_gather(run_v, [tc], mask=valid) + rank
            pos = jnp.clip(pos, 0, batch + _LANES - 1)
            plsc.store_scatter(srt_v, [pos], r, mask=valid)
            plsc.addupdate_scatter(run_v, [tc], ones, mask=valid)
            return carry

        lax.fori_loop(0, nhg, sort_body, 0)

        def flush():
            pltpu.sync_copy(loc_v, rec_hbm.at[locjj_v])
            lax.fori_loop(0, _REC // _LANES, reset_dests, 0)

        def fetch(i):
            tv = tlist_v[pl.ds(i, _LANES)]
            t = tv[0] + lo
            woff = pl.multiple_of(t * 128, 128)
            pltpu.async_copy(
                tab_t_hbm.at[:, pl.ds(woff, 128)],
                blk_v.at[lax.rem(i, 4)],
                fsem,
            )

        for j in range(3):
            @pl.when(j < nmarked)
            def _prime(j=j):
                fetch(j)

        def tile_body(i, nd):
            @pl.when(i + 3 < nmarked)
            def _prefetch():
                fetch(i + 3)

            pltpu.make_async_copy(
                tab_t_hbm.at[:, pl.ds(0, 128)], blk_v.at[0], fsem
            ).wait()

            tv = tlist_v[pl.ds(i, _LANES)]
            tl = tv[0]
            ov = off_v[pl.ds(tl, _LANES)]
            o0 = ov[0]
            cv = cnt_v[pl.ds(tl, _LANES)]
            cn = cv[0]
            bufs = jnp.full((_LANES,), lax.rem(i, 4), jnp.int32)

            def ext_body(e, nd2):
                rv = srt_v[pl.ds(o0 + e, _LANES)]
                r = rv[0]
                jj = lax.shift_right_logical(r, 7) & (batch - 1)
                c = r & 127
                cs = jnp.full((_LANES,), c, jnp.int32)
                slot = lax.rem(nd2, _REC)
                slots = jnp.full((_LANES,), slot, jnp.int32)
                for h in range(dim // _LANES):
                    d_idx = lanes + _LANES * h
                    vals = plsc.load_gather(blk_v, [bufs, d_idx, cs])
                    plsc.store_scatter(loc_v, [slots, d_idx], vals)
                plsc.store_scatter(locjj_v, [slots],
                                   jnp.full((_LANES,), jj, jnp.int32))

                @pl.when(slot == _REC - 1)
                def _full():
                    flush()

                return nd2 + 1

            return lax.fori_loop(0, cn, ext_body, nd)

        ndone = lax.fori_loop(0, nmarked, tile_body, 0)

        @pl.when(lax.rem(ndone, _REC) != 0)
        def _tail():
            flush()

    def run(idx, tab_t):
        rec = produce(idx, tab_t)
        return rec[:batch, :dim]

    return run


def kernel(input_exs, table):
    idx = input_exs.reshape(-1).astype(jnp.int32)
    run = _build(table.shape[0], table.shape[1], idx.shape[0])
    return run(idx, table.T)

# --- scband reference (transcript-rebuilt; emitter-appended) ---
"""Pipeline reference for scband-encoder-69020124447170 (READ-ONLY COPY).

The authoritative reference and input builder live on the scoring server;
editing this copy changes nothing except your own understanding.
"""

import jax, jax.numpy as jnp
import numpy as np

NUM_EMBEDDINGS = 1000000
EMBEDDING_DIM = 64
BATCH = 16384

def setup_inputs(seed: int = 0) -> dict:
    key = jax.random.key(seed)
    k_idx, k_tab = jax.random.split(key)
    input_exs = jax.random.randint(k_idx, (BATCH, 1), 0, NUM_EMBEDDINGS, dtype=jnp.int64 if jax.config.read('jax_enable_x64') else jnp.int32)
    table = jax.random.normal(k_tab, (NUM_EMBEDDINGS, EMBEDDING_DIM), dtype=jnp.float32)
    return {"input_exs": input_exs, "table": table}

def reference(input_exs, table):
    # Encoder.forward: emb = self.ex_embeddings(input_exs.squeeze(1))
    idx = jnp.squeeze(input_exs, axis=1)
    emb = jnp.take(table, idx, axis=0)
    return emb

if __name__ == "__main__":
    import jax
    _d = setup_inputs()
    print(jax.jit(kernel)(*tuple(_d.values())))

</pallas_src>

<mosaic_0001>
#map = affine_map<(d0, d1) -> (0)>
#map1 = affine_map<(d0, d1) -> (0, 0)>
module attributes {stable_mosaic.version = 14 : i64} {
  func.func @produce(%arg0: i32, %arg1: i32, %arg2: memref<16384xi32, #tpu.memory_space<hbm>>, %arg3: memref<64x1000000xf32, #tpu.memory_space<hbm>>, %arg4: memref<16512x128xf32, #tpu.memory_space<hbm>>, %arg5: memref<16384xi32, #tpu.memory_space<vmem>>, %arg6: memref<16416xi32, #tpu.memory_space<vmem>>, %arg7: memref<16400xi32, #tpu.memory_space<vmem>>, %arg8: memref<272xi32, #tpu.memory_space<vmem>>, %arg9: memref<272xi32, #tpu.memory_space<vmem>>, %arg10: memref<272xi32, #tpu.memory_space<vmem>>, %arg11: memref<272xi32, #tpu.memory_space<vmem>>, %arg12: memref<4x64x128xf32, #tpu.memory_space<vmem>>, %arg13: memref<128x128xf32, #tpu.memory_space<vmem>>, %arg14: memref<128xi32, #tpu.memory_space<vmem>>, %arg15: memref<!tpu.dma_semaphore, #tpu.memory_space<semaphore_mem>>) attributes {dimension_semantics = [#tpu.dimension_semantics<core_parallel>, #tpu.dimension_semantics<subcore_parallel>], iteration_bounds = array<i64: 2, 16>, scalar_prefetch = 0 : i64, scratch_operands = 11 : i64, tpu.core_type = #tpu.core_type<sc_vector_subcore>, window_params = [{transform_indices = #map}, {transform_indices = #map1}, {transform_indices = #map1}]} {
    %mul3A = arith.constant 2 : i32
    %mul3A_0 = arith.muli %arg1, %mul3A : i32
    %add3A = arith.addi %mul3A_0, %arg0 : i32
    %iota3A = tpu.iota {dimensions = array<i32: 0>} : vector<16xi32>
    %broadcast_in_dim3A = arith.constant 1 : i32
    %broadcast_in_dim3A_1 = vector.broadcast %broadcast_in_dim3A : i32 to vector<16xi32>
    %broadcast_in_dim3A_2 = arith.constant 0 : i32
    %broadcast_in_dim3A_3 = vector.broadcast %broadcast_in_dim3A_2 : i32 to vector<16xi32>
    %mul3A_4 = arith.constant 245 : i32
    %mul3A_5 = arith.muli %add3A, %mul3A_4 : i32
    %add3A_6 = arith.constant 245 : i32
    %add3A_7 = arith.addi %mul3A_5, %add3A_6 : i32
    %min3A = arith.constant 7813 : i32
    %min3A_8 = arith.minsi %add3A_7, %min3A : i32
    "tpu.region"() ({
      %run_scoped3A = tpu.sem_alloc : memref<!tpu.dma_semaphore, #tpu.memory_space<semaphore_mem>>
      tpu.enqueue_dma source(%arg2 : memref<16384xi32, #tpu.memory_space<hbm>>) target(%arg5 : memref<16384xi32, #tpu.memory_space<vmem>>) target_semaphore(%run_scoped3A : memref<!tpu.dma_semaphore, #tpu.memory_space<semaphore_mem>>)
      tpu.wait_dma2 semaphore(%run_scoped3A : memref<!tpu.dma_semaphore, #tpu.memory_space<semaphore_mem>>) src(%arg2 : memref<16384xi32, #tpu.memory_space<hbm>>) dst(%arg5 : memref<16384xi32, #tpu.memory_space<vmem>>)
      tpu.yield
    }) : () -> ()
    %scan3A = arith.constant 0 : i32
    %scan3A_9 = arith.constant 0 : i32
    %scan3A_10 = arith.constant 8 : i32
    %scan3A_11 = arith.addi %scan3A_9, %scan3A_10 : i32
    %scan3A_12 = arith.constant 1 : i32
    scf.for %scan3A_95 = %scan3A_9 to %scan3A_11 step %scan3A_12  : i32 {
      %mul3A_96 = arith.constant 16 : i32
      %mul3A_97 = arith.muli %scan3A_95, %mul3A_96 : i32
      %add3A_98 = arith.constant 16384 : i32
      %add3A_99 = arith.addi %add3A_98, %mul3A_97 : i32
      %add3A_100 = vector.broadcast %add3A_99 : i32 to vector<16xi32>
      %add3A_101 = arith.addi %add3A_100, %iota3A : vector<16xi32>
      %mul3A_102 = arith.constant 16 : i32
      %mul3A_103 = arith.muli %scan3A_95, %mul3A_102 : i32
      %swap3A = arith.index_cast %mul3A_103 : i32 to index
      %swap3A_104 = tpu.vector_load %arg14[%swap3A] {strides = array<i32>} : memref<128xi32, #tpu.memory_space<vmem>>, vector<16xi32>,
      tpu.vector_store %arg14[%swap3A], %add3A_101 {strides = array<i32>} : memref<128xi32, #tpu.memory_space<vmem>>, vector<16xi32>,
    }
    %scan3A_13 = arith.constant 8 : i32
    %scan3A_14 = arith.constant 0 : i32
    %scan3A_15 = arith.constant 0 : i32
    %scan3A_16 = arith.constant 17 : i32
    %scan3A_17 = arith.addi %scan3A_15, %scan3A_16 : i32
    %scan3A_18 = arith.constant 1 : i32
    scf.for %scan3A_95 = %scan3A_15 to %scan3A_17 step %scan3A_18  : i32 {
      %mul3A_96 = arith.constant 16 : i32
      %mul3A_97 = arith.muli %scan3A_95, %mul3A_96 : i32
      %swap3A = arith.index_cast %mul3A_97 : i32 to index
      %swap3A_98 = tpu.vector_load %arg8[%swap3A] {strides = array<i32>} : memref<272xi32, #tpu.memory_space<vmem>>, vector<16xi32>,
      tpu.vector_store %arg8[%swap3A], %broadcast_in_dim3A_3 {strides = array<i32>} : memref<272xi32, #tpu.memory_space<vmem>>, vector<16xi32>,
    }
    %scan3A_19 = arith.constant 17 : i32
    %scan3A_20 = arith.constant 0 : i32
    %scan3A_21 = arith.constant 0 : i32
    %scan3A_22 = arith.constant 1024 : i32
    %scan3A_23 = arith.addi %scan3A_21, %scan3A_22 : i32
    %scan3A_24 = arith.constant 1 : i32
    %scan3A_25 = scf.for %scan3A_95 = %scan3A_21 to %scan3A_23 step %scan3A_24 iter_args(%scan3A_96 = %scan3A_20) -> (i32)  : i32 {
      %mul3A_97 = arith.constant 16 : i32
      %mul3A_98 = arith.muli %scan3A_95, %mul3A_97 : i32
      %get3A = arith.index_cast %mul3A_98 : i32 to index
      %get3A_99 = tpu.vector_load %arg5[%get3A] {strides = array<i32>} : memref<16384xi32, #tpu.memory_space<vmem>>, vector<16xi32>,
      %shift_right_logical3A = arith.constant 7 : i32
      %shift_right_logical3A_100 = vector.broadcast %shift_right_logical3A : i32 to vector<16xi32>
      %shift_right_logical3A_101 = arith.shrui %get3A_99, %shift_right_logical3A_100 : vector<16xi32>
      %ge3A = vector.broadcast %mul3A_5 : i32 to vector<16xi32>
      %ge3A_102 = arith.cmpi sge, %shift_right_logical3A_101, %ge3A : vector<16xi32>
      %lt3A = vector.broadcast %min3A_8 : i32 to vector<16xi32>
      %lt3A_103 = arith.cmpi slt, %shift_right_logical3A_101, %lt3A : vector<16xi32>
      %and3A_104 = arith.andi %ge3A_102, %lt3A_103 : vector<16xi1>
      %all_reduce_population_count3A = tpu.all_reduce %and3A_104 {dim = 0 : i64, kind = #tpu.reduction_kind<sum>} : vector<16xi1> -> vector<16xi32>
      %slice3A = vector.extract_strided_slice %all_reduce_population_count3A {offsets = [0], sizes = [1], strides = [1]} : vector<16xi32> to vector<1xi32>
      %squeeze3A = vector.extract %slice3A[0] : i32 from vector<1xi32>
      %sub3A_105 = vector.broadcast %mul3A_5 : i32 to vector<16xi32>
      %sub3A_106 = arith.subi %shift_right_logical3A_101, %sub3A_105 : vector<16xi32>
      %jit3A_107 = arith.constant 0 : i32
      %jit3A_108 = arith.constant 271 : i32
      %max3A = vector.broadcast %jit3A_107 : i32 to vector<16xi32>
      %max3A_109 = arith.maxsi %max3A, %sub3A_106 : vector<16xi32>
      %min3A_110 = vector.broadcast %jit3A_108 : i32 to vector<16xi32>
      %min3A_111 = arith.minsi %min3A_110, %max3A_109 : vector<16xi32>
      %shift_left3A = arith.constant 21 : i32
      %shift_left3A_112 = vector.broadcast %shift_left3A : i32 to vector<16xi32>
      %shift_left3A_113 = arith.shli %min3A_111, %shift_left3A_112 : vector<16xi32>
      %mul3A_114 = arith.constant 16 : i32
      %mul3A_115 = arith.muli %scan3A_95, %mul3A_114 : i32
      %add3A_116 = vector.broadcast %mul3A_115 : i32 to vector<16xi32>
      %add3A_117 = arith.addi %add3A_116, %iota3A : vector<16xi32>
      %shift_left3A_118 = arith.constant 7 : i32
      %shift_left3A_119 = vector.broadcast %shift_left3A_118 : i32 to vector<16xi32>
      %shift_left3A_120 = arith.shli %add3A_117, %shift_left3A_119 : vector<16xi32>
      %or3A = arith.ori %shift_left3A_113, %shift_left3A_120 : vector<16xi32>
      %and3A_121 = arith.constant 127 : i32
      %and3A_122 = vector.broadcast %and3A_121 : i32 to vector<16xi32>
      %and3A_123 = arith.andi %get3A_99, %and3A_122 : vector<16xi32>
      %or3A_124 = arith.ori %or3A, %and3A_123 : vector<16xi32>
      %add3A_125 = arith.constant 16 : i32
      %add3A_126 = arith.addi %scan3A_96, %add3A_125 : i32
      %swap3A = arith.index_cast %add3A_126 : i32 to index
      %swap3A_127 = tpu.vector_load %arg6[%swap3A] masked %and3A_104 {strides = array<i32>} : memref<16416xi32, #tpu.memory_space<vmem>>, vector<16xi32>, vector<16xi1>
      tpu.vector_store %arg6[%swap3A], %or3A_124 masked %and3A_104 {strides = array<i32>} : memref<16416xi32, #tpu.memory_space<vmem>>, vector<16xi32>, vector<16xi1>
      tpu.vector_store_idx %arg8[%min3A_111], %broadcast_in_dim3A_1 masked %and3A_104 {add = true} : memref<272xi32, #tpu.memory_space<vmem>>[vector<16xi32>], vector<16xi32>, vector<16xi1>
      %add3A_128 = arith.addi %scan3A_96, %squeeze3A : i32
      scf.yield %add3A_128 : i32
    }
    %scan3A_26 = arith.constant 1024 : i32
    %add3A_27 = arith.constant 16 : i32
    %add3A_28 = arith.addi %scan3A_25, %add3A_27 : i32
    %sub3A = arith.constant 1 : i32
    %sub3A_29 = arith.subi %add3A_28, %sub3A : i32
    %jit3A = arith.constant 16 : i32
    %div3A = arith.divsi %sub3A_29, %jit3A : i32
    %sign3A = arith.constant 0 : i32
    %sign3A_30 = arith.cmpi sgt, %sub3A_29, %sign3A : i32
    %sign3A_31 = arith.extui %sign3A_30 : i1 to i32
    %sign3A_32 = arith.constant 0 : i32
    %sign3A_33 = arith.cmpi slt, %sub3A_29, %sign3A_32 : i32
    %sign3A_34 = arith.extui %sign3A_33 : i1 to i32
    %sign3A_35 = arith.subi %sign3A_31, %sign3A_34 : i32
    %sign3A_36 = arith.constant 0 : i32
    %sign3A_37 = arith.cmpi sgt, %jit3A, %sign3A_36 : i32
    %sign3A_38 = arith.extui %sign3A_37 : i1 to i32
    %sign3A_39 = arith.constant 0 : i32
    %sign3A_40 = arith.cmpi slt, %jit3A, %sign3A_39 : i32
    %sign3A_41 = arith.extui %sign3A_40 : i1 to i32
    %sign3A_42 = arith.subi %sign3A_38, %sign3A_41 : i32
    %ne3A = arith.cmpi ne, %sign3A_35, %sign3A_42 : i32
    %rem3A = arith.remsi %sub3A_29, %jit3A : i32
    %ne3A_43 = arith.constant 0 : i32
    %ne3A_44 = arith.cmpi ne, %rem3A, %ne3A_43 : i32
    %and3A = arith.andi %ne3A, %ne3A_44 : i1
    %sub3A_45 = arith.constant 1 : i32
    %sub3A_46 = arith.subi %div3A, %sub3A_45 : i32
    %select_n3A = arith.select %and3A, %sub3A_46, %div3A : i32
    %scan3A_47 = arith.constant 0 : i32
    %scan3A_48 = arith.constant 0 : i32
    %scan3A_49 = arith.constant 0 : i32
    %scan3A_50 = arith.constant 17 : i32
    %scan3A_51 = arith.addi %scan3A_49, %scan3A_50 : i32
    %scan3A_52 = arith.constant 1 : i32
    %scan3A_53:2 = scf.for %scan3A_95 = %scan3A_49 to %scan3A_51 step %scan3A_52 iter_args(%scan3A_96 = %scan3A_47, %scan3A_97 = %scan3A_48) -> (i32, i32)  : i32 {
      %mul3A_98 = arith.constant 16 : i32
      %mul3A_99 = arith.muli %scan3A_95, %mul3A_98 : i32
      %get3A = arith.index_cast %mul3A_99 : i32 to index
      %get3A_100 = tpu.vector_load %arg8[%get3A] {strides = array<i32>} : memref<272xi32, #tpu.memory_space<vmem>>, vector<16xi32>,
      %broadcast_in_dim3A_101 = arith.constant true
      %broadcast_in_dim3A_102 = vector.broadcast %broadcast_in_dim3A_101 : i1 to vector<16xi1>
      %masked_cumsum3A = tpu.scan <sum>, %get3A_100 masked %broadcast_in_dim3A_102 : vector<16xi32>, vector<16xi1> -> vector<16xi32>
      %add3A_103 = vector.broadcast %scan3A_96 : i32 to vector<16xi32>
      %add3A_104 = arith.addi %add3A_103, %masked_cumsum3A : vector<16xi32>
      %sub3A_105 = arith.subi %add3A_104, %get3A_100 : vector<16xi32>
      %mul3A_106 = arith.constant 16 : i32
      %mul3A_107 = arith.muli %scan3A_95, %mul3A_106 : i32
      %swap3A = arith.index_cast %mul3A_107 : i32 to index
      %swap3A_108 = tpu.vector_load %arg9[%swap3A] {strides = array<i32>} : memref<272xi32, #tpu.memory_space<vmem>>, vector<16xi32>,
      tpu.vector_store %arg9[%swap3A], %sub3A_105 {strides = array<i32>} : memref<272xi32, #tpu.memory_space<vmem>>, vector<16xi32>,
      %mul3A_109 = arith.constant 16 : i32
      %mul3A_110 = arith.muli %scan3A_95, %mul3A_109 : i32
      %swap3A_111 = arith.index_cast %mul3A_110 : i32 to index
      %swap3A_112 = tpu.vector_load %arg10[%swap3A_111] {strides = array<i32>} : memref<272xi32, #tpu.memory_space<vmem>>, vector<16xi32>,
      tpu.vector_store %arg10[%swap3A_111], %sub3A_105 {strides = array<i32>} : memref<272xi32, #tpu.memory_space<vmem>>, vector<16xi32>,
      %gt3A_113 = arith.constant 0 : i32
      %gt3A_114 = vector.broadcast %gt3A_113 : i32 to vector<16xi32>
      %gt3A_115 = arith.cmpi sgt, %get3A_100, %gt3A_114 : vector<16xi32>
      %all_reduce_population_count3A = tpu.all_reduce %gt3A_115 {dim = 0 : i64, kind = #tpu.reduction_kind<sum>} : vector<16xi1> -> vector<16xi32>
      %slice3A = vector.extract_strided_slice %all_reduce_population_count3A {offsets = [0], sizes = [1], strides = [1]} : vector<16xi32> to vector<1xi32>
      %squeeze3A = vector.extract %slice3A[0] : i32 from vector<1xi32>
      %mul3A_116 = arith.constant 16 : i32
      %mul3A_117 = arith.muli %scan3A_95, %mul3A_116 : i32
      %add3A_118 = vector.broadcast %mul3A_117 : i32 to vector<16xi32>
      %add3A_119 = arith.addi %add3A_118, %iota3A : vector<16xi32>
      %swap3A_120 = arith.index_cast %scan3A_97 : i32 to index
      %swap3A_121 = tpu.vector_load %arg11[%swap3A_120] masked %gt3A_115 {strides = array<i32>} : memref<272xi32, #tpu.memory_space<vmem>>, vector<16xi32>, vector<16xi1>
      tpu.vector_store %arg11[%swap3A_120], %add3A_119 masked %gt3A_115 {strides = array<i32>} : memref<272xi32, #tpu.memory_space<vmem>>, vector<16xi32>, vector<16xi1>
      %slice3A_122 = vector.extract_strided_slice %masked_cumsum3A {offsets = [15], sizes = [1], strides = [1]} : vector<16xi32> to vector<1xi32>
      %squeeze3A_123 = vector.extract %slice3A_122[0] : i32 from vector<1xi32>
      %add3A_124 = arith.addi %scan3A_96, %squeeze3A_123 : i32
      %add3A_125 = arith.addi %scan3A_97, %squeeze3A : i32
      scf.yield %add3A_124, %add3A_125 : i32, i32
    }
    %scan3A_54 = arith.constant 17 : i32
    %while3A = arith.constant 0 : i32
    %while3A_55 = arith.constant 0 : i32
    %while3A_56 = arith.subi %select_n3A, %while3A_55 : i32
    %while3A_57 = arith.addi %while3A_55, %while3A_56 : i32
    %while3A_58 = arith.constant 1 : i32
    %while3A_59 = arith.divsi %while3A_56, %while3A_58 : i32
    %while3A_60 = arith.muli %while3A_59, %while3A_58 : i32
    %while3A_61 = arith.addi %while3A_55, %while3A_60 : i32
    %while3A_62 = arith.constant 1 : i32
    scf.for %while3A_95 = %while3A_55 to %while3A_61 step %while3A_62  : i32 {
      %mul3A_96 = arith.constant 16 : i32
      %mul3A_97 = arith.muli %while3A_95, %mul3A_96 : i32
      %add3A_98 = arith.constant 16 : i32
      %add3A_99 = arith.addi %add3A_98, %mul3A_97 : i32
      %get3A = arith.index_cast %add3A_99 : i32 to index
      %get3A_100 = tpu.vector_load %arg6[%get3A] {strides = array<i32>} : memref<16416xi32, #tpu.memory_space<vmem>>, vector<16xi32>,
      %shift_right_logical3A = arith.constant 21 : i32
      %shift_right_logical3A_101 = vector.broadcast %shift_right_logical3A : i32 to vector<16xi32>
      %shift_right_logical3A_102 = arith.shrui %get3A_100, %shift_right_logical3A_101 : vector<16xi32>
      %mul3A_103 = arith.constant 16 : i32
      %mul3A_104 = arith.muli %while3A_95, %mul3A_103 : i32
      %add3A_105 = vector.broadcast %mul3A_104 : i32 to vector<16xi32>
      %add3A_106 = arith.addi %add3A_105, %iota3A : vector<16xi32>
      %lt3A = vector.broadcast %scan3A_25 : i32 to vector<16xi32>
      %lt3A_107 = arith.cmpi slt, %add3A_106, %lt3A : vector<16xi32>
      %mul3A_108 = arith.constant 16 : i32
      %mul3A_109 = arith.muli %while3A_95, %mul3A_108 : i32
      %add3A_110 = arith.constant 16 : i32
      %add3A_111 = arith.addi %add3A_110, %mul3A_109 : i32
      %sub3A_112 = arith.constant 1 : i32
      %sub3A_113 = arith.subi %add3A_111, %sub3A_112 : i32
      %get3A_114 = arith.index_cast %sub3A_113 : i32 to index
      %get3A_115 = tpu.vector_load %arg6[%get3A_114] {strides = array<i32>} : memref<16416xi32, #tpu.memory_space<vmem>>, vector<16xi32>,
      %shift_right_logical3A_116 = arith.constant 21 : i32
      %shift_right_logical3A_117 = vector.broadcast %shift_right_logical3A_116 : i32 to vector<16xi32>
      %shift_right_logical3A_118 = arith.shrui %get3A_115, %shift_right_logical3A_117 : vector<16xi32>
      %eq3A = arith.cmpi eq, %shift_right_logical3A_102, %shift_right_logical3A_118 : vector<16xi32>
      %ge3A = arith.constant 1 : i32
      %ge3A_119 = vector.broadcast %ge3A : i32 to vector<16xi32>
      %ge3A_120 = arith.cmpi sge, %iota3A, %ge3A_119 : vector<16xi32>
      %and3A_121 = arith.andi %eq3A, %ge3A_120 : vector<16xi1>
      %jit3A_122 = arith.constant 1 : i32
      %jit3A_123 = arith.constant 0 : i32
      %broadcast_in_dim3A_124 = vector.broadcast %jit3A_122 : i32 to vector<16xi32>
      %broadcast_in_dim3A_125 = vector.broadcast %jit3A_123 : i32 to vector<16xi32>
      %select_n3A_126 = arith.select %and3A_121, %broadcast_in_dim3A_124, %broadcast_in_dim3A_125 : vector<16xi1>, vector<16xi32>
      %add3A_127 = arith.addi %broadcast_in_dim3A_3, %select_n3A_126 : vector<16xi32>
      %mul3A_128 = arith.constant 16 : i32
      %mul3A_129 = arith.muli %while3A_95, %mul3A_128 : i32
      %add3A_130 = arith.constant 16 : i32
      %add3A_131 = arith.addi %add3A_130, %mul3A_129 : i32
      %sub3A_132 = arith.constant 2 : i32
      %sub3A_133 = arith.subi %add3A_131, %sub3A_132 : i32
      %get3A_134 = arith.index_cast %sub3A_133 : i32 to index
      %get3A_135 = tpu.vector_load %arg6[%get3A_134] {strides = array<i32>} : memref<16416xi32, #tpu.memory_space<vmem>>, vector<16xi32>,
      %shift_right_logical3A_136 = arith.constant 21 : i32
      %shift_right_logical3A_137 = vector.broadcast %shift_right_logical3A_136 : i32 to vector<16xi32>
      %shift_right_logical3A_138 = arith.shrui %get3A_135, %shift_right_logical3A_137 : vector<16xi32>
      %eq3A_139 = arith.cmpi eq, %shift_right_logical3A_102, %shift_right_logical3A_138 : vector<16xi32>
      %ge3A_140 = arith.constant 2 : i32
      %ge3A_141 = vector.broadcast %ge3A_140 : i32 to vector<16xi32>
      %ge3A_142 = arith.cmpi sge, %iota3A, %ge3A_141 : vector<16xi32>
      %and3A_143 = arith.andi %eq3A_139, %ge3A_142 : vector<16xi1>
      %jit3A_144 = arith.constant 1 : i32
      %jit3A_145 = arith.constant 0 : i32
      %broadcast_in_dim3A_146 = vector.broadcast %jit3A_144 : i32 to vector<16xi32>
      %broadcast_in_dim3A_147 = vector.broadcast %jit3A_145 : i32 to vector<16xi32>
      %select_n3A_148 = arith.select %and3A_143, %broadcast_in_dim3A_146, %broadcast_in_dim3A_147 : vector<16xi1>, vector<16xi32>
      %add3A_149 = arith.addi %add3A_127, %select_n3A_148 : vector<16xi32>
      %mul3A_150 = arith.constant 16 : i32
      %mul3A_151 = arith.muli %while3A_95, %mul3A_150 : i32
      %add3A_152 = arith.constant 16 : i32
      %add3A_153 = arith.addi %add3A_152, %mul3A_151 : i32
      %sub3A_154 = arith.constant 3 : i32
      %sub3A_155 = arith.subi %add3A_153, %sub3A_154 : i32
      %get3A_156 = arith.index_cast %sub3A_155 : i32 to index
      %get3A_157 = tpu.vector_load %arg6[%get3A_156] {strides = array<i32>} : memref<16416xi32, #tpu.memory_space<vmem>>, vector<16xi32>,
      %shift_right_logical3A_158 = arith.constant 21 : i32
      %shift_right_logical3A_159 = vector.broadcast %shift_right_logical3A_158 : i32 to vector<16xi32>
      %shift_right_logical3A_160 = arith.shrui %get3A_157, %shift_right_logical3A_159 : vector<16xi32>
      %eq3A_161 = arith.cmpi eq, %shift_right_logical3A_102, %shift_right_logical3A_160 : vector<16xi32>
      %ge3A_162 = arith.constant 3 : i32
      %ge3A_163 = vector.broadcast %ge3A_162 : i32 to vector<16xi32>
      %ge3A_164 = arith.cmpi sge, %iota3A, %ge3A_163 : vector<16xi32>
      %and3A_165 = arith.andi %eq3A_161, %ge3A_164 : vector<16xi1>
      %jit3A_166 = arith.constant 1 : i32
      %jit3A_167 = arith.constant 0 : i32
      %broadcast_in_dim3A_168 = vector.broadcast %jit3A_166 : i32 to vector<16xi32>
      %broadcast_in_dim3A_169 = vector.broadcast %jit3A_167 : i32 to vector<16xi32>
      %select_n3A_170 = arith.select %and3A_165, %broadcast_in_dim3A_168, %broadcast_in_dim3A_169 : vector<16xi1>, vector<16xi32>
      %add3A_171 = arith.addi %add3A_149, %select_n3A_170 : vector<16xi32>
      %mul3A_172 = arith.constant 16 : i32
      %mul3A_173 = arith.muli %while3A_95, %mul3A_172 : i32
      %add3A_174 = arith.constant 16 : i32
      %add3A_175 = arith.addi %add3A_174, %mul3A_173 : i32
      %sub3A_176 = arith.constant 4 : i32
      %sub3A_177 = arith.subi %add3A_175, %sub3A_176 : i32
      %get3A_178 = arith.index_cast %sub3A_177 : i32 to index
      %get3A_179 = tpu.vector_load %arg6[%get3A_178] {strides = array<i32>} : memref<16416xi32, #tpu.memory_space<vmem>>, vector<16xi32>,
      %shift_right_logical3A_180 = arith.constant 21 : i32
      %shift_right_logical3A_181 = vector.broadcast %shift_right_logical3A_180 : i32 to vector<16xi32>
      %shift_right_logical3A_182 = arith.shrui %get3A_179, %shift_right_logical3A_181 : vector<16xi32>
      %eq3A_183 = arith.cmpi eq, %shift_right_logical3A_102, %shift_right_logical3A_182 : vector<16xi32>
      %ge3A_184 = arith.constant 4 : i32
      %ge3A_185 = vector.broadcast %ge3A_184 : i32 to vector<16xi32>
      %ge3A_186 = arith.cmpi sge, %iota3A, %ge3A_185 : vector<16xi32>
      %and3A_187 = arith.andi %eq3A_183, %ge3A_186 : vector<16xi1>
      %jit3A_188 = arith.constant 1 : i32
      %jit3A_189 = arith.constant 0 : i32
      %broadcast_in_dim3A_190 = vector.broadcast %jit3A_188 : i32 to vector<16xi32>
      %broadcast_in_dim3A_191 = vector.broadcast %jit3A_189 : i32 to vector<16xi32>
      %select_n3A_192 = arith.select %and3A_187, %broadcast_in_dim3A_190, %broadcast_in_dim3A_191 : vector<16xi1>, vector<16xi32>
      %add3A_193 = arith.addi %add3A_171, %select_n3A_192 : vector<16xi32>
      %mul3A_194 = arith.constant 16 : i32
      %mul3A_195 = arith.muli %while3A_95, %mul3A_194 : i32
      %add3A_196 = arith.constant 16 : i32
      %add3A_197 = arith.addi %add3A_196, %mul3A_195 : i32
      %sub3A_198 = arith.constant 5 : i32
      %sub3A_199 = arith.subi %add3A_197, %sub3A_198 : i32
      %get3A_200 = arith.index_cast %sub3A_199 : i32 to index
      %get3A_201 = tpu.vector_load %arg6[%get3A_200] {strides = array<i32>} : memref<16416xi32, #tpu.memory_space<vmem>>, vector<16xi32>,
      %shift_right_logical3A_202 = arith.constant 21 : i32
      %shift_right_logical3A_203 = vector.broadcast %shift_right_logical3A_202 : i32 to vector<16xi32>
      %shift_right_logical3A_204 = arith.shrui %get3A_201, %shift_right_logical3A_203 : vector<16xi32>
      %eq3A_205 = arith.cmpi eq, %shift_right_logical3A_102, %shift_right_logical3A_204 : vector<16xi32>
      %ge3A_206 = arith.constant 5 : i32
      %ge3A_207 = vector.broadcast %ge3A_206 : i32 to vector<16xi32>
      %ge3A_208 = arith.cmpi sge, %iota3A, %ge3A_207 : vector<16xi32>
      %and3A_209 = arith.andi %eq3A_205, %ge3A_208 : vector<16xi1>
      %jit3A_210 = arith.constant 1 : i32
      %jit3A_211 = arith.constant 0 : i32
      %broadcast_in_dim3A_212 = vector.broadcast %jit3A_210 : i32 to vector<16xi32>
      %broadcast_in_dim3A_213 = vector.broadcast %jit3A_211 : i32 to vector<16xi32>
      %select_n3A_214 = arith.select %and3A_209, %broadcast_in_dim3A_212, %broadcast_in_dim3A_213 : vector<16xi1>, vector<16xi32>
      %add3A_215 = arith.addi %add3A_193, %select_n3A_214 : vector<16xi32>
      %mul3A_216 = arith.constant 16 : i32
      %mul3A_217 = arith.muli %while3A_95, %mul3A_216 : i32
      %add3A_218 = arith.constant 16 : i32
      %add3A_219 = arith.addi %add3A_218, %mul3A_217 : i32
      %sub3A_220 = arith.constant 6 : i32
      %sub3A_221 = arith.subi %add3A_219, %sub3A_220 : i32
      %get3A_222 = arith.index_cast %sub3A_221 : i32 to index
      %get3A_223 = tpu.vector_load %arg6[%get3A_222] {strides = array<i32>} : memref<16416xi32, #tpu.memory_space<vmem>>, vector<16xi32>,
      %shift_right_logical3A_224 = arith.constant 21 : i32
      %shift_right_logical3A_225 = vector.broadcast %shift_right_logical3A_224 : i32 to vector<16xi32>
      %shift_right_logical3A_226 = arith.shrui %get3A_223, %shift_right_logical3A_225 : vector<16xi32>
      %eq3A_227 = arith.cmpi eq, %shift_right_logical3A_102, %shift_right_logical3A_226 : vector<16xi32>
      %ge3A_228 = arith.constant 6 : i32
      %ge3A_229 = vector.broadcast %ge3A_228 : i32 to vector<16xi32>
      %ge3A_230 = arith.cmpi sge, %iota3A, %ge3A_229 : vector<16xi32>
      %and3A_231 = arith.andi %eq3A_227, %ge3A_230 : vector<16xi1>
      %jit3A_232 = arith.constant 1 : i32
      %jit3A_233 = arith.constant 0 : i32
      %broadcast_in_dim3A_234 = vector.broadcast %jit3A_232 : i32 to vector<16xi32>
      %broadcast_in_dim3A_235 = vector.broadcast %jit3A_233 : i32 to vector<16xi32>
      %select_n3A_236 = arith.select %and3A_231, %broadcast_in_dim3A_234, %broadcast_in_dim3A_235 : vector<16xi1>, vector<16xi32>
      %add3A_237 = arith.addi %add3A_215, %select_n3A_236 : vector<16xi32>
      %mul3A_238 = arith.constant 16 : i32
      %mul3A_239 = arith.muli %while3A_95, %mul3A_238 : i32
      %add3A_240 = arith.constant 16 : i32
      %add3A_241 = arith.addi %add3A_240, %mul3A_239 : i32
      %sub3A_242 = arith.constant 7 : i32
      %sub3A_243 = arith.subi %add3A_241, %sub3A_242 : i32
      %get3A_244 = arith.index_cast %sub3A_243 : i32 to index
      %get3A_245 = tpu.vector_load %arg6[%get3A_244] {strides = array<i32>} : memref<16416xi32, #tpu.memory_space<vmem>>, vector<16xi32>,
      %shift_right_logical3A_246 = arith.constant 21 : i32
      %shift_right_logical3A_247 = vector.broadcast %shift_right_logical3A_246 : i32 to vector<16xi32>
      %shift_right_logical3A_248 = arith.shrui %get3A_245, %shift_right_logical3A_247 : vector<16xi32>
      %eq3A_249 = arith.cmpi eq, %shift_right_logical3A_102, %shift_right_logical3A_248 : vector<16xi32>
      %ge3A_250 = arith.constant 7 : i32
      %ge3A_251 = vector.broadcast %ge3A_250 : i32 to vector<16xi32>
      %ge3A_252 = arith.cmpi sge, %iota3A, %ge3A_251 : vector<16xi32>
      %and3A_253 = arith.andi %eq3A_249, %ge3A_252 : vector<16xi1>
      %jit3A_254 = arith.constant 1 : i32
      %jit3A_255 = arith.constant 0 : i32
      %broadcast_in_dim3A_256 = vector.broadcast %jit3A_254 : i32 to vector<16xi32>
      %broadcast_in_dim3A_257 = vector.broadcast %jit3A_255 : i32 to vector<16xi32>
      %select_n3A_258 = arith.select %and3A_253, %broadcast_in_dim3A_256, %broadcast_in_dim3A_257 : vector<16xi1>, vector<16xi32>
      %add3A_259 = arith.addi %add3A_237, %select_n3A_258 : vector<16xi32>
      %mul3A_260 = arith.constant 16 : i32
      %mul3A_261 = arith.muli %while3A_95, %mul3A_260 : i32
      %add3A_262 = arith.constant 16 : i32
      %add3A_263 = arith.addi %add3A_262, %mul3A_261 : i32
      %sub3A_264 = arith.constant 8 : i32
      %sub3A_265 = arith.subi %add3A_263, %sub3A_264 : i32
      %get3A_266 = arith.index_cast %sub3A_265 : i32 to index
      %get3A_267 = tpu.vector_load %arg6[%get3A_266] {strides = array<i32>} : memref<16416xi32, #tpu.memory_space<vmem>>, vector<16xi32>,
      %shift_right_logical3A_268 = arith.constant 21 : i32
      %shift_right_logical3A_269 = vector.broadcast %shift_right_logical3A_268 : i32 to vector<16xi32>
      %shift_right_logical3A_270 = arith.shrui %get3A_267, %shift_right_logical3A_269 : vector<16xi32>
      %eq3A_271 = arith.cmpi eq, %shift_right_logical3A_102, %shift_right_logical3A_270 : vector<16xi32>
      %ge3A_272 = arith.constant 8 : i32
      %ge3A_273 = vector.broadcast %ge3A_272 : i32 to vector<16xi32>
      %ge3A_274 = arith.cmpi sge, %iota3A, %ge3A_273 : vector<16xi32>
      %and3A_275 = arith.andi %eq3A_271, %ge3A_274 : vector<16xi1>
      %jit3A_276 = arith.constant 1 : i32
      %jit3A_277 = arith.constant 0 : i32
      %broadcast_in_dim3A_278 = vector.broadcast %jit3A_276 : i32 to vector<16xi32>
      %broadcast_in_dim3A_279 = vector.broadcast %jit3A_277 : i32 to vector<16xi32>
      %select_n3A_280 = arith.select %and3A_275, %broadcast_in_dim3A_278, %broadcast_in_dim3A_279 : vector<16xi1>, vector<16xi32>
      %add3A_281 = arith.addi %add3A_259, %select_n3A_280 : vector<16xi32>
      %mul3A_282 = arith.constant 16 : i32
      %mul3A_283 = arith.muli %while3A_95, %mul3A_282 : i32
      %add3A_284 = arith.constant 16 : i32
      %add3A_285 = arith.addi %add3A_284, %mul3A_283 : i32
      %sub3A_286 = arith.constant 9 : i32
      %sub3A_287 = arith.subi %add3A_285, %sub3A_286 : i32
      %get3A_288 = arith.index_cast %sub3A_287 : i32 to index
      %get3A_289 = tpu.vector_load %arg6[%get3A_288] {strides = array<i32>} : memref<16416xi32, #tpu.memory_space<vmem>>, vector<16xi32>,
      %shift_right_logical3A_290 = arith.constant 21 : i32
      %shift_right_logical3A_291 = vector.broadcast %shift_right_logical3A_290 : i32 to vector<16xi32>
      %shift_right_logical3A_292 = arith.shrui %get3A_289, %shift_right_logical3A_291 : vector<16xi32>
      %eq3A_293 = arith.cmpi eq, %shift_right_logical3A_102, %shift_right_logical3A_292 : vector<16xi32>
      %ge3A_294 = arith.constant 9 : i32
      %ge3A_295 = vector.broadcast %ge3A_294 : i32 to vector<16xi32>
      %ge3A_296 = arith.cmpi sge, %iota3A, %ge3A_295 : vector<16xi32>
      %and3A_297 = arith.andi %eq3A_293, %ge3A_296 : vector<16xi1>
      %jit3A_298 = arith.constant 1 : i32
      %jit3A_299 = arith.constant 0 : i32
      %broadcast_in_dim3A_300 = vector.broadcast %jit3A_298 : i32 to vector<16xi32>
      %broadcast_in_dim3A_301 = vector.broadcast %jit3A_299 : i32 to vector<16xi32>
      %select_n3A_302 = arith.select %and3A_297, %broadcast_in_dim3A_300, %broadcast_in_dim3A_301 : vector<16xi1>, vector<16xi32>
      %add3A_303 = arith.addi %add3A_281, %select_n3A_302 : vector<16xi32>
      %mul3A_304 = arith.constant 16 : i32
      %mul3A_305 = arith.muli %while3A_95, %mul3A_304 : i32
      %add3A_306 = arith.constant 16 : i32
      %add3A_307 = arith.addi %add3A_306, %mul3A_305 : i32
      %sub3A_308 = arith.constant 10 : i32
      %sub3A_309 = arith.subi %add3A_307, %sub3A_308 : i32
      %get3A_310 = arith.index_cast %sub3A_309 : i32 to index
      %get3A_311 = tpu.vector_load %arg6[%get3A_310] {strides = array<i32>} : memref<16416xi32, #tpu.memory_space<vmem>>, vector<16xi32>,
      %shift_right_logical3A_312 = arith.constant 21 : i32
      %shift_right_logical3A_313 = vector.broadcast %shift_right_logical3A_312 : i32 to vector<16xi32>
      %shift_right_logical3A_314 = arith.shrui %get3A_311, %shift_right_logical3A_313 : vector<16xi32>
      %eq3A_315 = arith.cmpi eq, %shift_right_logical3A_102, %shift_right_logical3A_314 : vector<16xi32>
      %ge3A_316 = arith.constant 10 : i32
      %ge3A_317 = vector.broadcast %ge3A_316 : i32 to vector<16xi32>
      %ge3A_318 = arith.cmpi sge, %iota3A, %ge3A_317 : vector<16xi32>
      %and3A_319 = arith.andi %eq3A_315, %ge3A_318 : vector<16xi1>
      %jit3A_320 = arith.constant 1 : i32
      %jit3A_321 = arith.constant 0 : i32
      %broadcast_in_dim3A_322 = vector.broadcast %jit3A_320 : i32 to vector<16xi32>
      %broadcast_in_dim3A_323 = vector.broadcast %jit3A_321 : i32 to vector<16xi32>
      %select_n3A_324 = arith.select %and3A_319, %broadcast_in_dim3A_322, %broadcast_in_dim3A_323 : vector<16xi1>, vector<16xi32>
      %add3A_325 = arith.addi %add3A_303, %select_n3A_324 : vector<16xi32>
      %mul3A_326 = arith.constant 16 : i32
      %mul3A_327 = arith.muli %while3A_95, %mul3A_326 : i32
      %add3A_328 = arith.constant 16 : i32
      %add3A_329 = arith.addi %add3A_328, %mul3A_327 : i32
      %sub3A_330 = arith.constant 11 : i32
      %sub3A_331 = arith.subi %add3A_329, %sub3A_330 : i32
      %get3A_332 = arith.index_cast %sub3A_331 : i32 to index
      %get3A_333 = tpu.vector_load %arg6[%get3A_332] {strides = array<i32>} : memref<16416xi32, #tpu.memory_space<vmem>>, vector<16xi32>,
      %shift_right_logical3A_334 = arith.constant 21 : i32
      %shift_right_logical3A_335 = vector.broadcast %shift_right_logical3A_334 : i32 to vector<16xi32>
      %shift_right_logical3A_336 = arith.shrui %get3A_333, %shift_right_logical3A_335 : vector<16xi32>
      %eq3A_337 = arith.cmpi eq, %shift_right_logical3A_102, %shift_right_logical3A_336 : vector<16xi32>
      %ge3A_338 = arith.constant 11 : i32
      %ge3A_339 = vector.broadcast %ge3A_338 : i32 to vector<16xi32>
      %ge3A_340 = arith.cmpi sge, %iota3A, %ge3A_339 : vector<16xi32>
      %and3A_341 = arith.andi %eq3A_337, %ge3A_340 : vector<16xi1>
      %jit3A_342 = arith.constant 1 : i32
      %jit3A_343 = arith.constant 0 : i32
      %broadcast_in_dim3A_344 = vector.broadcast %jit3A_342 : i32 to vector<16xi32>
      %broadcast_in_dim3A_345 = vector.broadcast %jit3A_343 : i32 to vector<16xi32>
      %select_n3A_346 = arith.select %and3A_341, %broadcast_in_dim3A_344, %broadcast_in_dim3A_345 : vector<16xi1>, vector<16xi32>
      %add3A_347 = arith.addi %add3A_325, %select_n3A_346 : vector<16xi32>
      %mul3A_348 = arith.constant 16 : i32
      %mul3A_349 = arith.muli %while3A_95, %mul3A_348 : i32
      %add3A_350 = arith.constant 16 : i32
      %add3A_351 = arith.addi %add3A_350, %mul3A_349 : i32
      %sub3A_352 = arith.constant 12 : i32
      %sub3A_353 = arith.subi %add3A_351, %sub3A_352 : i32
      %get3A_354 = arith.index_cast %sub3A_353 : i32 to index
      %get3A_355 = tpu.vector_load %arg6[%get3A_354] {strides = array<i32>} : memref<16416xi32, #tpu.memory_space<vmem>>, vector<16xi32>,
      %shift_right_logical3A_356 = arith.constant 21 : i32
      %shift_right_logical3A_357 = vector.broadcast %shift_right_logical3A_356 : i32 to vector<16xi32>
      %shift_right_logical3A_358 = arith.shrui %get3A_355, %shift_right_logical3A_357 : vector<16xi32>
      %eq3A_359 = arith.cmpi eq, %shift_right_logical3A_102, %shift_right_logical3A_358 : vector<16xi32>
      %ge3A_360 = arith.constant 12 : i32
      %ge3A_361 = vector.broadcast %ge3A_360 : i32 to vector<16xi32>
      %ge3A_362 = arith.cmpi sge, %iota3A, %ge3A_361 : vector<16xi32>
      %and3A_363 = arith.andi %eq3A_359, %ge3A_362 : vector<16xi1>
      %jit3A_364 = arith.constant 1 : i32
      %jit3A_365 = arith.constant 0 : i32
      %broadcast_in_dim3A_366 = vector.broadcast %jit3A_364 : i32 to vector<16xi32>
      %broadcast_in_dim3A_367 = vector.broadcast %jit3A_365 : i32 to vector<16xi32>
      %select_n3A_368 = arith.select %and3A_363, %broadcast_in_dim3A_366, %broadcast_in_dim3A_367 : vector<16xi1>, vector<16xi32>
      %add3A_369 = arith.addi %add3A_347, %select_n3A_368 : vector<16xi32>
      %mul3A_370 = arith.constant 16 : i32
      %mul3A_371 = arith.muli %while3A_95, %mul3A_370 : i32
      %add3A_372 = arith.constant 16 : i32
      %add3A_373 = arith.addi %add3A_372, %mul3A_371 : i32
      %sub3A_374 = arith.constant 13 : i32
      %sub3A_375 = arith.subi %add3A_373, %sub3A_374 : i32
      %get3A_376 = arith.index_cast %sub3A_375 : i32 to index
      %get3A_377 = tpu.vector_load %arg6[%get3A_376] {strides = array<i32>} : memref<16416xi32, #tpu.memory_space<vmem>>, vector<16xi32>,
      %shift_right_logical3A_378 = arith.constant 21 : i32
      %shift_right_logical3A_379 = vector.broadcast %shift_right_logical3A_378 : i32 to vector<16xi32>
      %shift_right_logical3A_380 = arith.shrui %get3A_377, %shift_right_logical3A_379 : vector<16xi32>
      %eq3A_381 = arith.cmpi eq, %shift_right_logical3A_102, %shift_right_logical3A_380 : vector<16xi32>
      %ge3A_382 = arith.constant 13 : i32
      %ge3A_383 = vector.broadcast %ge3A_382 : i32 to vector<16xi32>
      %ge3A_384 = arith.cmpi sge, %iota3A, %ge3A_383 : vector<16xi32>
      %and3A_385 = arith.andi %eq3A_381, %ge3A_384 : vector<16xi1>
      %jit3A_386 = arith.constant 1 : i32
      %jit3A_387 = arith.constant 0 : i32
      %broadcast_in_dim3A_388 = vector.broadcast %jit3A_386 : i32 to vector<16xi32>
      %broadcast_in_dim3A_389 = vector.broadcast %jit3A_387 : i32 to vector<16xi32>
      %select_n3A_390 = arith.select %and3A_385, %broadcast_in_dim3A_388, %broadcast_in_dim3A_389 : vector<16xi1>, vector<16xi32>
      %add3A_391 = arith.addi %add3A_369, %select_n3A_390 : vector<16xi32>
      %mul3A_392 = arith.constant 16 : i32
      %mul3A_393 = arith.muli %while3A_95, %mul3A_392 : i32
      %add3A_394 = arith.constant 16 : i32
      %add3A_395 = arith.addi %add3A_394, %mul3A_393 : i32
      %sub3A_396 = arith.constant 14 : i32
      %sub3A_397 = arith.subi %add3A_395, %sub3A_396 : i32
      %get3A_398 = arith.index_cast %sub3A_397 : i32 to index
      %get3A_399 = tpu.vector_load %arg6[%get3A_398] {strides = array<i32>} : memref<16416xi32, #tpu.memory_space<vmem>>, vector<16xi32>,
      %shift_right_logical3A_400 = arith.constant 21 : i32
      %shift_right_logical3A_401 = vector.broadcast %shift_right_logical3A_400 : i32 to vector<16xi32>
      %shift_right_logical3A_402 = arith.shrui %get3A_399, %shift_right_logical3A_401 : vector<16xi32>
      %eq3A_403 = arith.cmpi eq, %shift_right_logical3A_102, %shift_right_logical3A_402 : vector<16xi32>
      %ge3A_404 = arith.constant 14 : i32
      %ge3A_405 = vector.broadcast %ge3A_404 : i32 to vector<16xi32>
      %ge3A_406 = arith.cmpi sge, %iota3A, %ge3A_405 : vector<16xi32>
      %and3A_407 = arith.andi %eq3A_403, %ge3A_406 : vector<16xi1>
      %jit3A_408 = arith.constant 1 : i32
      %jit3A_409 = arith.constant 0 : i32
      %broadcast_in_dim3A_410 = vector.broadcast %jit3A_408 : i32 to vector<16xi32>
      %broadcast_in_dim3A_411 = vector.broadcast %jit3A_409 : i32 to vector<16xi32>
      %select_n3A_412 = arith.select %and3A_407, %broadcast_in_dim3A_410, %broadcast_in_dim3A_411 : vector<16xi1>, vector<16xi32>
      %add3A_413 = arith.addi %add3A_391, %select_n3A_412 : vector<16xi32>
      %mul3A_414 = arith.constant 16 : i32
      %mul3A_415 = arith.muli %while3A_95, %mul3A_414 : i32
      %add3A_416 = arith.constant 16 : i32
      %add3A_417 = arith.addi %add3A_416, %mul3A_415 : i32
      %sub3A_418 = arith.constant 15 : i32
      %sub3A_419 = arith.subi %add3A_417, %sub3A_418 : i32
      %get3A_420 = arith.index_cast %sub3A_419 : i32 to index
      %get3A_421 = tpu.vector_load %arg6[%get3A_420] {strides = array<i32>} : memref<16416xi32, #tpu.memory_space<vmem>>, vector<16xi32>,
      %shift_right_logical3A_422 = arith.constant 21 : i32
      %shift_right_logical3A_423 = vector.broadcast %shift_right_logical3A_422 : i32 to vector<16xi32>
      %shift_right_logical3A_424 = arith.shrui %get3A_421, %shift_right_logical3A_423 : vector<16xi32>
      %eq3A_425 = arith.cmpi eq, %shift_right_logical3A_102, %shift_right_logical3A_424 : vector<16xi32>
      %ge3A_426 = arith.constant 15 : i32
      %ge3A_427 = vector.broadcast %ge3A_426 : i32 to vector<16xi32>
      %ge3A_428 = arith.cmpi sge, %iota3A, %ge3A_427 : vector<16xi32>
      %and3A_429 = arith.andi %eq3A_425, %ge3A_428 : vector<16xi1>
      %jit3A_430 = arith.constant 1 : i32
      %jit3A_431 = arith.constant 0 : i32
      %broadcast_in_dim3A_432 = vector.broadcast %jit3A_430 : i32 to vector<16xi32>
      %broadcast_in_dim3A_433 = vector.broadcast %jit3A_431 : i32 to vector<16xi32>
      %select_n3A_434 = arith.select %and3A_429, %broadcast_in_dim3A_432, %broadcast_in_dim3A_433 : vector<16xi1>, vector<16xi32>
      %add3A_435 = arith.addi %add3A_413, %select_n3A_434 : vector<16xi32>
      %jit3A_436 = arith.constant 0 : i32
      %jit3A_437 = arith.constant 271 : i32
      %max3A = vector.broadcast %jit3A_436 : i32 to vector<16xi32>
      %max3A_438 = arith.maxsi %max3A, %shift_right_logical3A_102 : vector<16xi32>
      %min3A_439 = vector.broadcast %jit3A_437 : i32 to vector<16xi32>
      %min3A_440 = arith.minsi %min3A_439, %max3A_438 : vector<16xi32>
      %gather3A = tpu.vector_load_idx %arg10[%min3A_440] masked %lt3A_107 : memref<272xi32, #tpu.memory_space<vmem>>[vector<16xi32>], vector<16xi32>, vector<16xi1>
      %add3A_441 = arith.addi %gather3A, %add3A_435 : vector<16xi32>
      %jit3A_442 = arith.constant 0 : i32
      %jit3A_443 = arith.constant 16399 : i32
      %max3A_444 = vector.broadcast %jit3A_442 : i32 to vector<16xi32>
      %max3A_445 = arith.maxsi %max3A_444, %add3A_441 : vector<16xi32>
      %min3A_446 = vector.broadcast %jit3A_443 : i32 to vector<16xi32>
      %min3A_447 = arith.minsi %min3A_446, %max3A_445 : vector<16xi32>
      tpu.vector_store_idx %arg7[%min3A_447], %get3A_100 masked %lt3A_107 : memref<16400xi32, #tpu.memory_space<vmem>>[vector<16xi32>], vector<16xi32>, vector<16xi1>
      tpu.vector_store_idx %arg10[%min3A_440], %broadcast_in_dim3A_1 masked %lt3A_107 {add = true} : memref<272xi32, #tpu.memory_space<vmem>>[vector<16xi32>], vector<16xi32>, vector<16xi1>
    }
    %while3A_63 = arith.constant 1 : i32
    scf.for %while3A_95 = %while3A_61 to %while3A_57 step %while3A_63  : i32 {
      %mul3A_96 = arith.constant 16 : i32
      %mul3A_97 = arith.muli %while3A_95, %mul3A_96 : i32
      %add3A_98 = arith.constant 16 : i32
      %add3A_99 = arith.addi %add3A_98, %mul3A_97 : i32
      %get3A = arith.index_cast %add3A_99 : i32 to index
      %get3A_100 = tpu.vector_load %arg6[%get3A] {strides = array<i32>} : memref<16416xi32, #tpu.memory_space<vmem>>, vector<16xi32>,
      %shift_right_logical3A = arith.constant 21 : i32
      %shift_right_logical3A_101 = vector.broadcast %shift_right_logical3A : i32 to vector<16xi32>
      %shift_right_logical3A_102 = arith.shrui %get3A_100, %shift_right_logical3A_101 : vector<16xi32>
      %mul3A_103 = arith.constant 16 : i32
      %mul3A_104 = arith.muli %while3A_95, %mul3A_103 : i32
      %add3A_105 = vector.broadcast %mul3A_104 : i32 to vector<16xi32>
      %add3A_106 = arith.addi %add3A_105, %iota3A : vector<16xi32>
      %lt3A = vector.broadcast %scan3A_25 : i32 to vector<16xi32>
      %lt3A_107 = arith.cmpi slt, %add3A_106, %lt3A : vector<16xi32>
      %mul3A_108 = arith.constant 16 : i32
      %mul3A_109 = arith.muli %while3A_95, %mul3A_108 : i32
      %add3A_110 = arith.constant 16 : i32
      %add3A_111 = arith.addi %add3A_110, %mul3A_109 : i32
      %sub3A_112 = arith.constant 1 : i32
      %sub3A_113 = arith.subi %add3A_111, %sub3A_112 : i32
      %get3A_114 = arith.index_cast %sub3A_113 : i32 to index
      %get3A_115 = tpu.vector_load %arg6[%get3A_114] {strides = array<i32>} : memref<16416xi32, #tpu.memory_space<vmem>>, vector<16xi32>,
      %shift_right_logical3A_116 = arith.constant 21 : i32
      %shift_right_logical3A_117 = vector.broadcast %shift_right_logical3A_116 : i32 to vector<16xi32>
      %shift_right_logical3A_118 = arith.shrui %get3A_115, %shift_right_logical3A_117 : vector<16xi32>
      %eq3A = arith.cmpi eq, %shift_right_logical3A_102, %shift_right_logical3A_118 : vector<16xi32>
      %ge3A = arith.constant 1 : i32
      %ge3A_119 = vector.broadcast %ge3A : i32 to vector<16xi32>
      %ge3A_120 = arith.cmpi sge, %iota3A, %ge3A_119 : vector<16xi32>
      %and3A_121 = arith.andi %eq3A, %ge3A_120 : vector<16xi1>
      %jit3A_122 = arith.constant 1 : i32
      %jit3A_123 = arith.constant 0 : i32
      %broadcast_in_dim3A_124 = vector.broadcast %jit3A_122 : i32 to vector<16xi32>
      %broadcast_in_dim3A_125 = vector.broadcast %jit3A_123 : i32 to vector<16xi32>
      %select_n3A_126 = arith.select %and3A_121, %broadcast_in_dim3A_124, %broadcast_in_dim3A_125 : vector<16xi1>, vector<16xi32>
      %add3A_127 = arith.addi %broadcast_in_dim3A_3, %select_n3A_126 : vector<16xi32>
      %mul3A_128 = arith.constant 16 : i32
      %mul3A_129 = arith.muli %while3A_95, %mul3A_128 : i32
      %add3A_130 = arith.constant 16 : i32
      %add3A_131 = arith.addi %add3A_130, %mul3A_129 : i32
      %sub3A_132 = arith.constant 2 : i32
      %sub3A_133 = arith.subi %add3A_131, %sub3A_132 : i32
      %get3A_134 = arith.index_cast %sub3A_133 : i32 to index
      %get3A_135 = tpu.vector_load %arg6[%get3A_134] {strides = array<i32>} : memref<16416xi32, #tpu.memory_space<vmem>>, vector<16xi32>,
      %shift_right_logical3A_136 = arith.constant 21 : i32
      %shift_right_logical3A_137 = vector.broadcast %shift_right_logical3A_136 : i32 to vector<16xi32>
      %shift_right_logical3A_138 = arith.shrui %get3A_135, %shift_right_logical3A_137 : vector<16xi32>
      %eq3A_139 = arith.cmpi eq, %shift_right_logical3A_102, %shift_right_logical3A_138 : vector<16xi32>
      %ge3A_140 = arith.constant 2 : i32
      %ge3A_141 = vector.broadcast %ge3A_140 : i32 to vector<16xi32>
      %ge3A_142 = arith.cmpi sge, %iota3A, %ge3A_141 : vector<16xi32>
      %and3A_143 = arith.andi %eq3A_139, %ge3A_142 : vector<16xi1>
      %jit3A_144 = arith.constant 1 : i32
      %jit3A_145 = arith.constant 0 : i32
      %broadcast_in_dim3A_146 = vector.broadcast %jit3A_144 : i32 to vector<16xi32>
      %broadcast_in_dim3A_147 = vector.broadcast %jit3A_145 : i32 to vector<16xi32>
      %select_n3A_148 = arith.select %and3A_143, %broadcast_in_dim3A_146, %broadcast_in_dim3A_147 : vector<16xi1>, vector<16xi32>
      %add3A_149 = arith.addi %add3A_127, %select_n3A_148 : vector<16xi32>
      %mul3A_150 = arith.constant 16 : i32
      %mul3A_151 = arith.muli %while3A_95, %mul3A_150 : i32
      %add3A_152 = arith.constant 16 : i32
      %add3A_153 = arith.addi %add3A_152, %mul3A_151 : i32
      %sub3A_154 = arith.constant 3 : i32
      %sub3A_155 = arith.subi %add3A_153, %sub3A_154 : i32
      %get3A_156 = arith.index_cast %sub3A_155 : i32 to index
      %get3A_157 = tpu.vector_load %arg6[%get3A_156] {strides = array<i32>} : memref<16416xi32, #tpu.memory_space<vmem>>, vector<16xi32>,
      %shift_right_logical3A_158 = arith.constant 21 : i32
      %shift_right_logical3A_159 = vector.broadcast %shift_right_logical3A_158 : i32 to vector<16xi32>
      %shift_right_logical3A_160 = arith.shrui %get3A_157, %shift_right_logical3A_159 : vector<16xi32>
      %eq3A_161 = arith.cmpi eq, %shift_right_logical3A_102, %shift_right_logical3A_160 : vector<16xi32>
      %ge3A_162 = arith.constant 3 : i32
      %ge3A_163 = vector.broadcast %ge3A_162 : i32 to vector<16xi32>
      %ge3A_164 = arith.cmpi sge, %iota3A, %ge3A_163 : vector<16xi32>
      %and3A_165 = arith.andi %eq3A_161, %ge3A_164 : vector<16xi1>
      %jit3A_166 = arith.constant 1 : i32
      %jit3A_167 = arith.constant 0 : i32
      %broadcast_in_dim3A_168 = vector.broadcast %jit3A_166 : i32 to vector<16xi32>
      %broadcast_in_dim3A_169 = vector.broadcast %jit3A_167 : i32 to vector<16xi32>
      %select_n3A_170 = arith.select %and3A_165, %broadcast_in_dim3A_168, %broadcast_in_dim3A_169 : vector<16xi1>, vector<16xi32>
      %add3A_171 = arith.addi %add3A_149, %select_n3A_170 : vector<16xi32>
      %mul3A_172 = arith.constant 16 : i32
      %mul3A_173 = arith.muli %while3A_95, %mul3A_172 : i32
      %add3A_174 = arith.constant 16 : i32
      %add3A_175 = arith.addi %add3A_174, %mul3A_173 : i32
      %sub3A_176 = arith.constant 4 : i32
      %sub3A_177 = arith.subi %add3A_175, %sub3A_176 : i32
      %get3A_178 = arith.index_cast %sub3A_177 : i32 to index
      %get3A_179 = tpu.vector_load %arg6[%get3A_178] {strides = array<i32>} : memref<16416xi32, #tpu.memory_space<vmem>>, vector<16xi32>,
      %shift_right_logical3A_180 = arith.constant 21 : i32
      %shift_right_logical3A_181 = vector.broadcast %shift_right_logical3A_180 : i32 to vector<16xi32>
      %shift_right_logical3A_182 = arith.shrui %get3A_179, %shift_right_logical3A_181 : vector<16xi32>
      %eq3A_183 = arith.cmpi eq, %shift_right_logical3A_102, %shift_right_logical3A_182 : vector<16xi32>
      %ge3A_184 = arith.constant 4 : i32
      %ge3A_185 = vector.broadcast %ge3A_184 : i32 to vector<16xi32>
      %ge3A_186 = arith.cmpi sge, %iota3A, %ge3A_185 : vector<16xi32>
      %and3A_187 = arith.andi %eq3A_183, %ge3A_186 : vector<16xi1>
      %jit3A_188 = arith.constant 1 : i32
      %jit3A_189 = arith.constant 0 : i32
      %broadcast_in_dim3A_190 = vector.broadcast %jit3A_188 : i32 to vector<16xi32>
      %broadcast_in_dim3A_191 = vector.broadcast %jit3A_189 : i32 to vector<16xi32>
      %select_n3A_192 = arith.select %and3A_187, %broadcast_in_dim3A_190, %broadcast_in_dim3A_191 : vector<16xi1>, vector<16xi32>
      %add3A_193 = arith.addi %add3A_171, %select_n3A_192 : vector<16xi32>
      %mul3A_194 = arith.constant 16 : i32
      %mul3A_195 = arith.muli %while3A_95, %mul3A_194 : i32
      %add3A_196 = arith.constant 16 : i32
      %add3A_197 = arith.addi %add3A_196, %mul3A_195 : i32
      %sub3A_198 = arith.constant 5 : i32
      %sub3A_199 = arith.subi %add3A_197, %sub3A_198 : i32
      %get3A_200 = arith.index_cast %sub3A_199 : i32 to index
      %get3A_201 = tpu.vector_load %arg6[%get3A_200] {strides = array<i32>} : memref<16416xi32, #tpu.memory_space<vmem>>, vector<16xi32>,
      %shift_right_logical3A_202 = arith.constant 21 : i32
      %shift_right_logical3A_203 = vector.broadcast %shift_right_logical3A_202 : i32 to vector<16xi32>
      %shift_right_logical3A_204 = arith.shrui %get3A_201, %shift_right_logical3A_203 : vector<16xi32>
      %eq3A_205 = arith.cmpi eq, %shift_right_logical3A_102, %shift_right_logical3A_204 : vector<16xi32>
      %ge3A_206 = arith.constant 5 : i32
      %ge3A_207 = vector.broadcast %ge3A_206 : i32 to vector<16xi32>
      %ge3A_208 = arith.cmpi sge, %iota3A, %ge3A_207 : vector<16xi32>
      %and3A_209 = arith.andi %eq3A_205, %ge3A_208 : vector<16xi1>
      %jit3A_210 = arith.constant 1 : i32
      %jit3A_211 = arith.constant 0 : i32
      %broadcast_in_dim3A_212 = vector.broadcast %jit3A_210 : i32 to vector<16xi32>
      %broadcast_in_dim3A_213 = vector.broadcast %jit3A_211 : i32 to vector<16xi32>
      %select_n3A_214 = arith.select %and3A_209, %broadcast_in_dim3A_212, %broadcast_in_dim3A_213 : vector<16xi1>, vector<16xi32>
      %add3A_215 = arith.addi %add3A_193, %select_n3A_214 : vector<16xi32>
      %mul3A_216 = arith.constant 16 : i32
      %mul3A_217 = arith.muli %while3A_95, %mul3A_216 : i32
      %add3A_218 = arith.constant 16 : i32
      %add3A_219 = arith.addi %add3A_218, %mul3A_217 : i32
      %sub3A_220 = arith.constant 6 : i32
      %sub3A_221 = arith.subi %add3A_219, %sub3A_220 : i32
      %get3A_222 = arith.index_cast %sub3A_221 : i32 to index
      %get3A_223 = tpu.vector_load %arg6[%get3A_222] {strides = array<i32>} : memref<16416xi32, #tpu.memory_space<vmem>>, vector<16xi32>,
      %shift_right_logical3A_224 = arith.constant 21 : i32
      %shift_right_logical3A_225 = vector.broadcast %shift_right_logical3A_224 : i32 to vector<16xi32>
      %shift_right_logical3A_226 = arith.shrui %get3A_223, %shift_right_logical3A_225 : vector<16xi32>
      %eq3A_227 = arith.cmpi eq, %shift_right_logical3A_102, %shift_right_logical3A_226 : vector<16xi32>
      %ge3A_228 = arith.constant 6 : i32
      %ge3A_229 = vector.broadcast %ge3A_228 : i32 to vector<16xi32>
      %ge3A_230 = arith.cmpi sge, %iota3A, %ge3A_229 : vector<16xi32>
      %and3A_231 = arith.andi %eq3A_227, %ge3A_230 : vector<16xi1>
      %jit3A_232 = arith.constant 1 : i32
      %jit3A_233 = arith.constant 0 : i32
      %broadcast_in_dim3A_234 = vector.broadcast %jit3A_232 : i32 to vector<16xi32>
      %broadcast_in_dim3A_235 = vector.broadcast %jit3A_233 : i32 to vector<16xi32>
      %select_n3A_236 = arith.select %and3A_231, %broadcast_in_dim3A_234, %broadcast_in_dim3A_235 : vector<16xi1>, vector<16xi32>
      %add3A_237 = arith.addi %add3A_215, %select_n3A_236 : vector<16xi32>
      %mul3A_238 = arith.constant 16 : i32
      %mul3A_239 = arith.muli %while3A_95, %mul3A_238 : i32
      %add3A_240 = arith.constant 16 : i32
      %add3A_241 = arith.addi %add3A_240, %mul3A_239 : i32
      %sub3A_242 = arith.constant 7 : i32
      %sub3A_243 = arith.subi %add3A_241, %sub3A_242 : i32
      %get3A_244 = arith.index_cast %sub3A_243 : i32 to index
      %get3A_245 = tpu.vector_load %arg6[%get3A_244] {strides = array<i32>} : memref<16416xi32, #tpu.memory_space<vmem>>, vector<16xi32>,
      %shift_right_logical3A_246 = arith.constant 21 : i32
      %shift_right_logical3A_247 = vector.broadcast %shift_right_logical3A_246 : i32 to vector<16xi32>
      %shift_right_logical3A_248 = arith.shrui %get3A_245, %shift_right_logical3A_247 : vector<16xi32>
      %eq3A_249 = arith.cmpi eq, %shift_right_logical3A_102, %shift_right_logical3A_248 : vector<16xi32>
      %ge3A_250 = arith.constant 7 : i32
      %ge3A_251 = vector.broadcast %ge3A_250 : i32 to vector<16xi32>
      %ge3A_252 = arith.cmpi sge, %iota3A, %ge3A_251 : vector<16xi32>
      %and3A_253 = arith.andi %eq3A_249, %ge3A_252 : vector<16xi1>
      %jit3A_254 = arith.constant 1 : i32
      %jit3A_255 = arith.constant 0 : i32
      %broadcast_in_dim3A_256 = vector.broadcast %jit3A_254 : i32 to vector<16xi32>
      %broadcast_in_dim3A_257 = vector.broadcast %jit3A_255 : i32 to vector<16xi32>
      %select_n3A_258 = arith.select %and3A_253, %broadcast_in_dim3A_256, %broadcast_in_dim3A_257 : vector<16xi1>, vector<16xi32>
      %add3A_259 = arith.addi %add3A_237, %select_n3A_258 : vector<16xi32>
      %mul3A_260 = arith.constant 16 : i32
      %mul3A_261 = arith.muli %while3A_95, %mul3A_260 : i32
      %add3A_262 = arith.constant 16 : i32
      %add3A_263 = arith.addi %add3A_262, %mul3A_261 : i32
      %sub3A_264 = arith.constant 8 : i32
      %sub3A_265 = arith.subi %add3A_263, %sub3A_264 : i32
      %get3A_266 = arith.index_cast %sub3A_265 : i32 to index
      %get3A_267 = tpu.vector_load %arg6[%get3A_266] {strides = array<i32>} : memref<16416xi32, #tpu.memory_space<vmem>>, vector<16xi32>,
      %shift_right_logical3A_268 = arith.constant 21 : i32
      %shift_right_logical3A_269 = vector.broadcast %shift_right_logical3A_268 : i32 to vector<16xi32>
      %shift_right_logical3A_270 = arith.shrui %get3A_267, %shift_right_logical3A_269 : vector<16xi32>
      %eq3A_271 = arith.cmpi eq, %shift_right_logical3A_102, %shift_right_logical3A_270 : vector<16xi32>
      %ge3A_272 = arith.constant 8 : i32
      %ge3A_273 = vector.broadcast %ge3A_272 : i32 to vector<16xi32>
      %ge3A_274 = arith.cmpi sge, %iota3A, %ge3A_273 : vector<16xi32>
      %and3A_275 = arith.andi %eq3A_271, %ge3A_274 : vector<16xi1>
      %jit3A_276 = arith.constant 1 : i32
      %jit3A_277 = arith.constant 0 : i32
      %broadcast_in_dim3A_278 = vector.broadcast %jit3A_276 : i32 to vector<16xi32>
      %broadcast_in_dim3A_279 = vector.broadcast %jit3A_277 : i32 to vector<16xi32>
      %select_n3A_280 = arith.select %and3A_275, %broadcast_in_dim3A_278, %broadcast_in_dim3A_279 : vector<16xi1>, vector<16xi32>
      %add3A_281 = arith.addi %add3A_259, %select_n3A_280 : vector<16xi32>
      %mul3A_282 = arith.constant 16 : i32
      %mul3A_283 = arith.muli %while3A_95, %mul3A_282 : i32
      %add3A_284 = arith.constant 16 : i32
      %add3A_285 = arith.addi %add3A_284, %mul3A_283 : i32
      %sub3A_286 = arith.constant 9 : i32
      %sub3A_287 = arith.subi %add3A_285, %sub3A_286 : i32
      %get3A_288 = arith.index_cast %sub3A_287 : i32 to index
      %get3A_289 = tpu.vector_load %arg6[%get3A_288] {strides = array<i32>} : memref<16416xi32, #tpu.memory_space<vmem>>, vector<16xi32>,
      %shift_right_logical3A_290 = arith.constant 21 : i32
      %shift_right_logical3A_291 = vector.broadcast %shift_right_logical3A_290 : i32 to vector<16xi32>
      %shift_right_logical3A_292 = arith.shrui %get3A_289, %shift_right_logical3A_291 : vector<16xi32>
      %eq3A_293 = arith.cmpi eq, %shift_right_logical3A_102, %shift_right_logical3A_292 : vector<16xi32>
      %ge3A_294 = arith.constant 9 : i32
      %ge3A_295 = vector.broadcast %ge3A_294 : i32 to vector<16xi32>
      %ge3A_296 = arith.cmpi sge, %iota3A, %ge3A_295 : vector<16xi32>
      %and3A_297 = arith.andi %eq3A_293, %ge3A_296 : vector<16xi1>
      %jit3A_298 = arith.constant 1 : i32
      %jit3A_299 = arith.constant 0 : i32
      %broadcast_in_dim3A_300 = vector.broadcast %jit3A_298 : i32 to vector<16xi32>
      %broadcast_in_dim3A_301 = vector.broadcast %jit3A_299 : i32 to vector<16xi32>
      %select_n3A_302 = arith.select %and3A_297, %broadcast_in_dim3A_300, %broadcast_in_dim3A_301 : vector<16xi1>, vector<16xi32>
      %add3A_303 = arith.addi %add3A_281, %select_n3A_302 : vector<16xi32>
      %mul3A_304 = arith.constant 16 : i32
      %mul3A_305 = arith.muli %while3A_95, %mul3A_304 : i32
      %add3A_306 = arith.constant 16 : i32
      %add3A_307 = arith.addi %add3A_306, %mul3A_305 : i32
      %sub3A_308 = arith.constant 10 : i32
      %sub3A_309 = arith.subi %add3A_307, %sub3A_308 : i32
      %get3A_310 = arith.index_cast %sub3A_309 : i32 to index
      %get3A_311 = tpu.vector_load %arg6[%get3A_310] {strides = array<i32>} : memref<16416xi32, #tpu.memory_space<vmem>>, vector<16xi32>,
      %shift_right_logical3A_312 = arith.constant 21 : i32
      %shift_right_logical3A_313 = vector.broadcast %shift_right_logical3A_312 : i32 to vector<16xi32>
      %shift_right_logical3A_314 = arith.shrui %get3A_311, %shift_right_logical3A_313 : vector<16xi32>
      %eq3A_315 = arith.cmpi eq, %shift_right_logical3A_102, %shift_right_logical3A_314 : vector<16xi32>
      %ge3A_316 = arith.constant 10 : i32
      %ge3A_317 = vector.broadcast %ge3A_316 : i32 to vector<16xi32>
      %ge3A_318 = arith.cmpi sge, %iota3A, %ge3A_317 : vector<16xi32>
      %and3A_319 = arith.andi %eq3A_315, %ge3A_318 : vector<16xi1>
      %jit3A_320 = arith.constant 1 : i32
      %jit3A_321 = arith.constant 0 : i32
      %broadcast_in_dim3A_322 = vector.broadcast %jit3A_320 : i32 to vector<16xi32>
      %broadcast_in_dim3A_323 = vector.broadcast %jit3A_321 : i32 to vector<16xi32>
      %select_n3A_324 = arith.select %and3A_319, %broadcast_in_dim3A_322, %broadcast_in_dim3A_323 : vector<16xi1>, vector<16xi32>
      %add3A_325 = arith.addi %add3A_303, %select_n3A_324 : vector<16xi32>
      %mul3A_326 = arith.constant 16 : i32
      %mul3A_327 = arith.muli %while3A_95, %mul3A_326 : i32
      %add3A_328 = arith.constant 16 : i32
      %add3A_329 = arith.addi %add3A_328, %mul3A_327 : i32
      %sub3A_330 = arith.constant 11 : i32
      %sub3A_331 = arith.subi %add3A_329, %sub3A_330 : i32
      %get3A_332 = arith.index_cast %sub3A_331 : i32 to index
      %get3A_333 = tpu.vector_load %arg6[%get3A_332] {strides = array<i32>} : memref<16416xi32, #tpu.memory_space<vmem>>, vector<16xi32>,
      %shift_right_logical3A_334 = arith.constant 21 : i32
      %shift_right_logical3A_335 = vector.broadcast %shift_right_logical3A_334 : i32 to vector<16xi32>
      %shift_right_logical3A_336 = arith.shrui %get3A_333, %shift_right_logical3A_335 : vector<16xi32>
      %eq3A_337 = arith.cmpi eq, %shift_right_logical3A_102, %shift_right_logical3A_336 : vector<16xi32>
      %ge3A_338 = arith.constant 11 : i32
      %ge3A_339 = vector.broadcast %ge3A_338 : i32 to vector<16xi32>
      %ge3A_340 = arith.cmpi sge, %iota3A, %ge3A_339 : vector<16xi32>
      %and3A_341 = arith.andi %eq3A_337, %ge3A_340 : vector<16xi1>
      %jit3A_342 = arith.constant 1 : i32
      %jit3A_343 = arith.constant 0 : i32
      %broadcast_in_dim3A_344 = vector.broadcast %jit3A_342 : i32 to vector<16xi32>
      %broadcast_in_dim3A_345 = vector.broadcast %jit3A_343 : i32 to vector<16xi32>
      %select_n3A_346 = arith.select %and3A_341, %broadcast_in_dim3A_344, %broadcast_in_dim3A_345 : vector<16xi1>, vector<16xi32>
      %add3A_347 = arith.addi %add3A_325, %select_n3A_346 : vector<16xi32>
      %mul3A_348 = arith.constant 16 : i32
      %mul3A_349 = arith.muli %while3A_95, %mul3A_348 : i32
      %add3A_350 = arith.constant 16 : i32
      %add3A_351 = arith.addi %add3A_350, %mul3A_349 : i32
      %sub3A_352 = arith.constant 12 : i32
      %sub3A_353 = arith.subi %add3A_351, %sub3A_352 : i32
      %get3A_354 = arith.index_cast %sub3A_353 : i32 to index
      %get3A_355 = tpu.vector_load %arg6[%get3A_354] {strides = array<i32>} : memref<16416xi32, #tpu.memory_space<vmem>>, vector<16xi32>,
      %shift_right_logical3A_356 = arith.constant 21 : i32
      %shift_right_logical3A_357 = vector.broadcast %shift_right_logical3A_356 : i32 to vector<16xi32>
      %shift_right_logical3A_358 = arith.shrui %get3A_355, %shift_right_logical3A_357 : vector<16xi32>
      %eq3A_359 = arith.cmpi eq, %shift_right_logical3A_102, %shift_right_logical3A_358 : vector<16xi32>
      %ge3A_360 = arith.constant 12 : i32
      %ge3A_361 = vector.broadcast %ge3A_360 : i32 to vector<16xi32>
      %ge3A_362 = arith.cmpi sge, %iota3A, %ge3A_361 : vector<16xi32>
      %and3A_363 = arith.andi %eq3A_359, %ge3A_362 : vector<16xi1>
      %jit3A_364 = arith.constant 1 : i32
      %jit3A_365 = arith.constant 0 : i32
      %broadcast_in_dim3A_366 = vector.broadcast %jit3A_364 : i32 to vector<16xi32>
      %broadcast_in_dim3A_367 = vector.broadcast %jit3A_365 : i32 to vector<16xi32>
      %select_n3A_368 = arith.select %and3A_363, %broadcast_in_dim3A_366, %broadcast_in_dim3A_367 : vector<16xi1>, vector<16xi32>
      %add3A_369 = arith.addi %add3A_347, %select_n3A_368 : vector<16xi32>
      %mul3A_370 = arith.constant 16 : i32
      %mul3A_371 = arith.muli %while3A_95, %mul3A_370 : i32
      %add3A_372 = arith.constant 16 : i32
      %add3A_373 = arith.addi %add3A_372, %mul3A_371 : i32
      %sub3A_374 = arith.constant 13 : i32
      %sub3A_375 = arith.subi %add3A_373, %sub3A_374 : i32
      %get3A_376 = arith.index_cast %sub3A_375 : i32 to index
      %get3A_377 = tpu.vector_load %arg6[%get3A_376] {strides = array<i32>} : memref<16416xi32, #tpu.memory_space<vmem>>, vector<16xi32>,
      %shift_right_logical3A_378 = arith.constant 21 : i32
      %shift_right_logical3A_379 = vector.broadcast %shift_right_logical3A_378 : i32 to vector<16xi32>
      %shift_right_logical3A_380 = arith.shrui %get3A_377, %shift_right_logical3A_379 : vector<16xi32>
      %eq3A_381 = arith.cmpi eq, %shift_right_logical3A_102, %shift_right_logical3A_380 : vector<16xi32>
      %ge3A_382 = arith.constant 13 : i32
      %ge3A_383 = vector.broadcast %ge3A_382 : i32 to vector<16xi32>
      %ge3A_384 = arith.cmpi sge, %iota3A, %ge3A_383 : vector<16xi32>
      %and3A_385 = arith.andi %eq3A_381, %ge3A_384 : vector<16xi1>
      %jit3A_386 = arith.constant 1 : i32
      %jit3A_387 = arith.constant 0 : i32
      %broadcast_in_dim3A_388 = vector.broadcast %jit3A_386 : i32 to vector<16xi32>
      %broadcast_in_dim3A_389 = vector.broadcast %jit3A_387 : i32 to vector<16xi32>
      %select_n3A_390 = arith.select %and3A_385, %broadcast_in_dim3A_388, %broadcast_in_dim3A_389 : vector<16xi1>, vector<16xi32>
      %add3A_391 = arith.addi %add3A_369, %select_n3A_390 : vector<16xi32>
      %mul3A_392 = arith.constant 16 : i32
      %mul3A_393 = arith.muli %while3A_95, %mul3A_392 : i32
      %add3A_394 = arith.constant 16 : i32
      %add3A_395 = arith.addi %add3A_394, %mul3A_393 : i32
      %sub3A_396 = arith.constant 14 : i32
      %sub3A_397 = arith.subi %add3A_395, %sub3A_396 : i32
      %get3A_398 = arith.index_cast %sub3A_397 : i32 to index
      %get3A_399 = tpu.vector_load %arg6[%get3A_398] {strides = array<i32>} : memref<16416xi32, #tpu.memory_space<vmem>>, vector<16xi32>,
      %shift_right_logical3A_400 = arith.constant 21 : i32
      %shift_right_logical3A_401 = vector.broadcast %shift_right_logical3A_400 : i32 to vector<16xi32>
      %shift_right_logical3A_402 = arith.shrui %get3A_399, %shift_right_logical3A_401 : vector<16xi32>
      %eq3A_403 = arith.cmpi eq, %shift_right_logical3A_102, %shift_right_logical3A_402 : vector<16xi32>
      %ge3A_404 = arith.constant 14 : i32
      %ge3A_405 = vector.broadcast %ge3A_404 : i32 to vector<16xi32>
      %ge3A_406 = arith.cmpi sge, %iota3A, %ge3A_405 : vector<16xi32>
      %and3A_407 = arith.andi %eq3A_403, %ge3A_406 : vector<16xi1>
      %jit3A_408 = arith.constant 1 : i32
      %jit3A_409 = arith.constant 0 : i32
      %broadcast_in_dim3A_410 = vector.broadcast %jit3A_408 : i32 to vector<16xi32>
      %broadcast_in_dim3A_411 = vector.broadcast %jit3A_409 : i32 to vector<16xi32>
      %select_n3A_412 = arith.select %and3A_407, %broadcast_in_dim3A_410, %broadcast_in_dim3A_411 : vector<16xi1>, vector<16xi32>
      %add3A_413 = arith.addi %add3A_391, %select_n3A_412 : vector<16xi32>
      %mul3A_414 = arith.constant 16 : i32
      %mul3A_415 = arith.muli %while3A_95, %mul3A_414 : i32
      %add3A_416 = arith.constant 16 : i32
      %add3A_417 = arith.addi %add3A_416, %mul3A_415 : i32
      %sub3A_418 = arith.constant 15 : i32
      %sub3A_419 = arith.subi %add3A_417, %sub3A_418 : i32
      %get3A_420 = arith.index_cast %sub3A_419 : i32 to index
      %get3A_421 = tpu.vector_load %arg6[%get3A_420] {strides = array<i32>} : memref<16416xi32, #tpu.memory_space<vmem>>, vector<16xi32>,
      %shift_right_logical3A_422 = arith.constant 21 : i32
      %shift_right_logical3A_423 = vector.broadcast %shift_right_logical3A_422 : i32 to vector<16xi32>
      %shift_right_logical3A_424 = arith.shrui %get3A_421, %shift_right_logical3A_423 : vector<16xi32>
      %eq3A_425 = arith.cmpi eq, %shift_right_logical3A_102, %shift_right_logical3A_424 : vector<16xi32>
      %ge3A_426 = arith.constant 15 : i32
      %ge3A_427 = vector.broadcast %ge3A_426 : i32 to vector<16xi32>
      %ge3A_428 = arith.cmpi sge, %iota3A, %ge3A_427 : vector<16xi32>
      %and3A_429 = arith.andi %eq3A_425, %ge3A_428 : vector<16xi1>
      %jit3A_430 = arith.constant 1 : i32
      %jit3A_431 = arith.constant 0 : i32
      %broadcast_in_dim3A_432 = vector.broadcast %jit3A_430 : i32 to vector<16xi32>
      %broadcast_in_dim3A_433 = vector.broadcast %jit3A_431 : i32 to vector<16xi32>
      %select_n3A_434 = arith.select %and3A_429, %broadcast_in_dim3A_432, %broadcast_in_dim3A_433 : vector<16xi1>, vector<16xi32>
      %add3A_435 = arith.addi %add3A_413, %select_n3A_434 : vector<16xi32>
      %jit3A_436 = arith.constant 0 : i32
      %jit3A_437 = arith.constant 271 : i32
      %max3A = vector.broadcast %jit3A_436 : i32 to vector<16xi32>
      %max3A_438 = arith.maxsi %max3A, %shift_right_logical3A_102 : vector<16xi32>
      %min3A_439 = vector.broadcast %jit3A_437 : i32 to vector<16xi32>
      %min3A_440 = arith.minsi %min3A_439, %max3A_438 : vector<16xi32>
      %gather3A = tpu.vector_load_idx %arg10[%min3A_440] masked %lt3A_107 : memref<272xi32, #tpu.memory_space<vmem>>[vector<16xi32>], vector<16xi32>, vector<16xi1>
      %add3A_441 = arith.addi %gather3A, %add3A_435 : vector<16xi32>
      %jit3A_442 = arith.constant 0 : i32
      %jit3A_443 = arith.constant 16399 : i32
      %max3A_444 = vector.broadcast %jit3A_442 : i32 to vector<16xi32>
      %max3A_445 = arith.maxsi %max3A_444, %add3A_441 : vector<16xi32>
      %min3A_446 = vector.broadcast %jit3A_443 : i32 to vector<16xi32>
      %min3A_447 = arith.minsi %min3A_446, %max3A_445 : vector<16xi32>
      tpu.vector_store_idx %arg7[%min3A_447], %get3A_100 masked %lt3A_107 : memref<16400xi32, #tpu.memory_space<vmem>>[vector<16xi32>], vector<16xi32>, vector<16xi1>
      tpu.vector_store_idx %arg10[%min3A_440], %broadcast_in_dim3A_1 masked %lt3A_107 {add = true} : memref<272xi32, #tpu.memory_space<vmem>>[vector<16xi32>], vector<16xi32>, vector<16xi1>
    }
    %gt3A = arith.constant 0 : i32
    %gt3A_64 = arith.cmpi sgt, %scan3A_53#1, %gt3A : i32
    %convert_element_type3A = arith.extui %gt3A_64 : i1 to i32
    %cond3A = arith.constant 0 : i32
    %cond3A_65 = arith.cmpi ne, %convert_element_type3A, %cond3A : i32
    scf.if %cond3A_65 {
      %get3A = arith.constant 0 : index
      %get3A_95 = tpu.vector_load %arg11[%get3A] {strides = array<i32>} : memref<272xi32, #tpu.memory_space<vmem>>, vector<16xi32>,
      %slice3A = vector.extract_strided_slice %get3A_95 {offsets = [0], sizes = [1], strides = [1]} : vector<16xi32> to vector<1xi32>
      %squeeze3A = vector.extract %slice3A[0] : i32 from vector<1xi32>
      %add3A_96 = arith.addi %squeeze3A, %mul3A_5 : i32
      %mul3A_97 = arith.constant 128 : i32
      %mul3A_98 = arith.muli %add3A_96, %mul3A_97 : i32
      %multiple_of3A = tpu.assume_multiple %mul3A_98, 128 : i32
      %rem3A_99 = arith.constant 0 : i32
      %rem3A_100 = arith.constant 4 : i32
      %rem3A_101 = arith.remsi %rem3A_99, %rem3A_100 : i32
      %dma_start3A = arith.constant 0 : i32
      %dma_start3A_102 = arith.constant 0 : i32
      %dma_start3A_103 = tpu.memref_slice %arg12[%rem3A_101, %dma_start3A, %dma_start3A_102] : memref<4x64x128xf32, #tpu.memory_space<vmem>> -> memref<1x64x128xf32, #tpu.memory_space<vmem>>
      %dma_start3A_104 = tpu.memref_squeeze %dma_start3A_103 : memref<1x64x128xf32, #tpu.memory_space<vmem>> -> memref<64x128xf32, #tpu.memory_space<vmem>>
      %dma_start3A_105 = arith.constant 0 : i32
      %dma_start3A_106 = tpu.memref_slice %arg3[%dma_start3A_105, %multiple_of3A] : memref<64x1000000xf32, #tpu.memory_space<hbm>> -> memref<64x128xf32, #tpu.memory_space<hbm>>
      %dma_start3A_107 = arith.constant 0 : i32
      %dma_start3A_108 = arith.constant 0 : i32
      %dma_start3A_109 = tpu.memref_slice %arg12[%rem3A_101, %dma_start3A_107, %dma_start3A_108] : memref<4x64x128xf32, #tpu.memory_space<vmem>> -> memref<1x64x128xf32, #tpu.memory_space<vmem>>
      %dma_start3A_110 = tpu.memref_squeeze %dma_start3A_109 : memref<1x64x128xf32, #tpu.memory_space<vmem>> -> memref<64x128xf32, #tpu.memory_space<vmem>>
      %dma_start3A_111 = arith.constant 0 : i32
      %dma_start3A_112 = tpu.memref_slice %arg3[%dma_start3A_111, %multiple_of3A] : memref<64x1000000xf32, #tpu.memory_space<hbm>> -> memref<64x128xf32, #tpu.memory_space<hbm>>
      tpu.enqueue_dma source(%dma_start3A_112 : memref<64x128xf32, #tpu.memory_space<hbm>>) target(%dma_start3A_110 : memref<64x128xf32, #tpu.memory_space<vmem>>) target_semaphore(%arg15 : memref<!tpu.dma_semaphore, #tpu.memory_space<semaphore_mem>>)
    } else {
    }
    %gt3A_66 = arith.constant 1 : i32
    %gt3A_67 = arith.cmpi sgt, %scan3A_53#1, %gt3A_66 : i32
    %convert_element_type3A_68 = arith.extui %gt3A_67 : i1 to i32
    %cond3A_69 = arith.constant 0 : i32
    %cond3A_70 = arith.cmpi ne, %convert_element_type3A_68, %cond3A_69 : i32
    scf.if %cond3A_70 {
      %get3A = arith.constant 1 : index
      %get3A_95 = tpu.vector_load %arg11[%get3A] {strides = array<i32>} : memref<272xi32, #tpu.memory_space<vmem>>, vector<16xi32>,
      %slice3A = vector.extract_strided_slice %get3A_95 {offsets = [0], sizes = [1], strides = [1]} : vector<16xi32> to vector<1xi32>
      %squeeze3A = vector.extract %slice3A[0] : i32 from vector<1xi32>
      %add3A_96 = arith.addi %squeeze3A, %mul3A_5 : i32
      %mul3A_97 = arith.constant 128 : i32
      %mul3A_98 = arith.muli %add3A_96, %mul3A_97 : i32
      %multiple_of3A = tpu.assume_multiple %mul3A_98, 128 : i32
      %rem3A_99 = arith.constant 1 : i32
      %rem3A_100 = arith.constant 4 : i32
      %rem3A_101 = arith.remsi %rem3A_99, %rem3A_100 : i32
      %dma_start3A = arith.constant 0 : i32
      %dma_start3A_102 = arith.constant 0 : i32
      %dma_start3A_103 = tpu.memref_slice %arg12[%rem3A_101, %dma_start3A, %dma_start3A_102] : memref<4x64x128xf32, #tpu.memory_space<vmem>> -> memref<1x64x128xf32, #tpu.memory_space<vmem>>
      %dma_start3A_104 = tpu.memref_squeeze %dma_start3A_103 : memref<1x64x128xf32, #tpu.memory_space<vmem>> -> memref<64x128xf32, #tpu.memory_space<vmem>>
      %dma_start3A_105 = arith.constant 0 : i32
      %dma_start3A_106 = tpu.memref_slice %arg3[%dma_start3A_105, %multiple_of3A] : memref<64x1000000xf32, #tpu.memory_space<hbm>> -> memref<64x128xf32, #tpu.memory_space<hbm>>
      %dma_start3A_107 = arith.constant 0 : i32
      %dma_start3A_108 = arith.constant 0 : i32
      %dma_start3A_109 = tpu.memref_slice %arg12[%rem3A_101, %dma_start3A_107, %dma_start3A_108] : memref<4x64x128xf32, #tpu.memory_space<vmem>> -> memref<1x64x128xf32, #tpu.memory_space<vmem>>
      %dma_start3A_110 = tpu.memref_squeeze %dma_start3A_109 : memref<1x64x128xf32, #tpu.memory_space<vmem>> -> memref<64x128xf32, #tpu.memory_space<vmem>>
      %dma_start3A_111 = arith.constant 0 : i32
      %dma_start3A_112 = tpu.memref_slice %arg3[%dma_start3A_111, %multiple_of3A] : memref<64x1000000xf32, #tpu.memory_space<hbm>> -> memref<64x128xf32, #tpu.memory_space<hbm>>
      tpu.enqueue_dma source(%dma_start3A_112 : memref<64x128xf32, #tpu.memory_space<hbm>>) target(%dma_start3A_110 : memref<64x128xf32, #tpu.memory_space<vmem>>) target_semaphore(%arg15 : memref<!tpu.dma_semaphore, #tpu.memory_space<semaphore_mem>>)
    } else {
    }
    %gt3A_71 = arith.constant 2 : i32
    %gt3A_72 = arith.cmpi sgt, %scan3A_53#1, %gt3A_71 : i32
    %convert_element_type3A_73 = arith.extui %gt3A_72 : i1 to i32
    %cond3A_74 = arith.constant 0 : i32
    %cond3A_75 = arith.cmpi ne, %convert_element_type3A_73, %cond3A_74 : i32
    scf.if %cond3A_75 {
      %get3A = arith.constant 2 : index
      %get3A_95 = tpu.vector_load %arg11[%get3A] {strides = array<i32>} : memref<272xi32, #tpu.memory_space<vmem>>, vector<16xi32>,
      %slice3A = vector.extract_strided_slice %get3A_95 {offsets = [0], sizes = [1], strides = [1]} : vector<16xi32> to vector<1xi32>
      %squeeze3A = vector.extract %slice3A[0] : i32 from vector<1xi32>
      %add3A_96 = arith.addi %squeeze3A, %mul3A_5 : i32
      %mul3A_97 = arith.constant 128 : i32
      %mul3A_98 = arith.muli %add3A_96, %mul3A_97 : i32
      %multiple_of3A = tpu.assume_multiple %mul3A_98, 128 : i32
      %rem3A_99 = arith.constant 2 : i32
      %rem3A_100 = arith.constant 4 : i32
      %rem3A_101 = arith.remsi %rem3A_99, %rem3A_100 : i32
      %dma_start3A = arith.constant 0 : i32
      %dma_start3A_102 = arith.constant 0 : i32
      %dma_start3A_103 = tpu.memref_slice %arg12[%rem3A_101, %dma_start3A, %dma_start3A_102] : memref<4x64x128xf32, #tpu.memory_space<vmem>> -> memref<1x64x128xf32, #tpu.memory_space<vmem>>
      %dma_start3A_104 = tpu.memref_squeeze %dma_start3A_103 : memref<1x64x128xf32, #tpu.memory_space<vmem>> -> memref<64x128xf32, #tpu.memory_space<vmem>>
      %dma_start3A_105 = arith.constant 0 : i32
      %dma_start3A_106 = tpu.memref_slice %arg3[%dma_start3A_105, %multiple_of3A] : memref<64x1000000xf32, #tpu.memory_space<hbm>> -> memref<64x128xf32, #tpu.memory_space<hbm>>
      %dma_start3A_107 = arith.constant 0 : i32
      %dma_start3A_108 = arith.constant 0 : i32
      %dma_start3A_109 = tpu.memref_slice %arg12[%rem3A_101, %dma_start3A_107, %dma_start3A_108] : memref<4x64x128xf32, #tpu.memory_space<vmem>> -> memref<1x64x128xf32, #tpu.memory_space<vmem>>
      %dma_start3A_110 = tpu.memref_squeeze %dma_start3A_109 : memref<1x64x128xf32, #tpu.memory_space<vmem>> -> memref<64x128xf32, #tpu.memory_space<vmem>>
      %dma_start3A_111 = arith.constant 0 : i32
      %dma_start3A_112 = tpu.memref_slice %arg3[%dma_start3A_111, %multiple_of3A] : memref<64x1000000xf32, #tpu.memory_space<hbm>> -> memref<64x128xf32, #tpu.memory_space<hbm>>
      tpu.enqueue_dma source(%dma_start3A_112 : memref<64x128xf32, #tpu.memory_space<hbm>>) target(%dma_start3A_110 : memref<64x128xf32, #tpu.memory_space<vmem>>) target_semaphore(%arg15 : memref<!tpu.dma_semaphore, #tpu.memory_space<semaphore_mem>>)
    } else {
    }
    %while3A_76 = arith.constant 0 : i32
    %while3A_77 = arith.constant 0 : i32
    %while3A_78 = arith.subi %scan3A_53#1, %while3A_76 : i32
    %while3A_79 = arith.addi %while3A_76, %while3A_78 : i32
    %while3A_80 = arith.constant 1 : i32
    %while3A_81 = arith.divsi %while3A_78, %while3A_80 : i32
    %while3A_82 = arith.muli %while3A_81, %while3A_80 : i32
    %while3A_83 = arith.addi %while3A_76, %while3A_82 : i32
    %while3A_84 = arith.constant 1 : i32
    %while3A_85 = scf.for %while3A_95 = %while3A_76 to %while3A_83 step %while3A_84 iter_args(%while3A_96 = %while3A_77) -> (i32)  : i32 {
      %add3A_97 = arith.constant 3 : i32
      %add3A_98 = arith.addi %while3A_95, %add3A_97 : i32
      %lt3A = arith.cmpi slt, %add3A_98, %scan3A_53#1 : i32
      %convert_element_type3A_99 = arith.extui %lt3A : i1 to i32
      %cond3A_100 = arith.constant 0 : i32
      %cond3A_101 = arith.cmpi ne, %convert_element_type3A_99, %cond3A_100 : i32
      scf.if %cond3A_101 {
        %add3A_139 = arith.constant 3 : i32
        %add3A_140 = arith.addi %while3A_95, %add3A_139 : i32
        %get3A_141 = arith.index_cast %add3A_140 : i32 to index
        %get3A_142 = tpu.vector_load %arg11[%get3A_141] {strides = array<i32>} : memref<272xi32, #tpu.memory_space<vmem>>, vector<16xi32>,
        %slice3A_143 = vector.extract_strided_slice %get3A_142 {offsets = [0], sizes = [1], strides = [1]} : vector<16xi32> to vector<1xi32>
        %squeeze3A_144 = vector.extract %slice3A_143[0] : i32 from vector<1xi32>
        %add3A_145 = arith.addi %squeeze3A_144, %mul3A_5 : i32
        %mul3A_146 = arith.constant 128 : i32
        %mul3A_147 = arith.muli %add3A_145, %mul3A_146 : i32
        %multiple_of3A = tpu.assume_multiple %mul3A_147, 128 : i32
        %rem3A_148 = arith.constant 4 : i32
        %rem3A_149 = arith.remsi %add3A_140, %rem3A_148 : i32
        %dma_start3A = arith.constant 0 : i32
        %dma_start3A_150 = arith.constant 0 : i32
        %dma_start3A_151 = tpu.memref_slice %arg12[%rem3A_149, %dma_start3A, %dma_start3A_150] : memref<4x64x128xf32, #tpu.memory_space<vmem>> -> memref<1x64x128xf32, #tpu.memory_space<vmem>>
        %dma_start3A_152 = tpu.memref_squeeze %dma_start3A_151 : memref<1x64x128xf32, #tpu.memory_space<vmem>> -> memref<64x128xf32, #tpu.memory_space<vmem>>
        %dma_start3A_153 = arith.constant 0 : i32
        %dma_start3A_154 = tpu.memref_slice %arg3[%dma_start3A_153, %multiple_of3A] : memref<64x1000000xf32, #tpu.memory_space<hbm>> -> memref<64x128xf32, #tpu.memory_space<hbm>>
        %dma_start3A_155 = arith.constant 0 : i32
        %dma_start3A_156 = arith.constant 0 : i32
        %dma_start3A_157 = tpu.memref_slice %arg12[%rem3A_149, %dma_start3A_155, %dma_start3A_156] : memref<4x64x128xf32, #tpu.memory_space<vmem>> -> memref<1x64x128xf32, #tpu.memory_space<vmem>>
        %dma_start3A_158 = tpu.memref_squeeze %dma_start3A_157 : memref<1x64x128xf32, #tpu.memory_space<vmem>> -> memref<64x128xf32, #tpu.memory_space<vmem>>
        %dma_start3A_159 = arith.constant 0 : i32
        %dma_start3A_160 = tpu.memref_slice %arg3[%dma_start3A_159, %multiple_of3A] : memref<64x1000000xf32, #tpu.memory_space<hbm>> -> memref<64x128xf32, #tpu.memory_space<hbm>>
        tpu.enqueue_dma source(%dma_start3A_160 : memref<64x128xf32, #tpu.memory_space<hbm>>) target(%dma_start3A_158 : memref<64x128xf32, #tpu.memory_space<vmem>>) target_semaphore(%arg15 : memref<!tpu.dma_semaphore, #tpu.memory_space<semaphore_mem>>)
      } else {
      }
      %dma_wait3A = arith.constant 0 : i32
      %dma_wait3A_102 = arith.constant 0 : i32
      %dma_wait3A_103 = arith.constant 0 : i32
      %dma_wait3A_104 = tpu.memref_slice %arg12[%dma_wait3A, %dma_wait3A_102, %dma_wait3A_103] : memref<4x64x128xf32, #tpu.memory_space<vmem>> -> memref<1x64x128xf32, #tpu.memory_space<vmem>>
      %dma_wait3A_105 = tpu.memref_squeeze %dma_wait3A_104 : memref<1x64x128xf32, #tpu.memory_space<vmem>> -> memref<64x128xf32, #tpu.memory_space<vmem>>
      %dma_wait3A_106 = arith.constant 0 : i32
      %dma_wait3A_107 = arith.constant 0 : i32
      %dma_wait3A_108 = tpu.memref_slice %arg3[%dma_wait3A_106, %dma_wait3A_107] : memref<64x1000000xf32, #tpu.memory_space<hbm>> -> memref<64x128xf32, #tpu.memory_space<hbm>>
      %dma_wait3A_109 = arith.constant 0 : i32
      %dma_wait3A_110 = arith.constant 0 : i32
      %dma_wait3A_111 = tpu.memref_slice %arg12[%dma_wait3A, %dma_wait3A_109, %dma_wait3A_110] : memref<4x64x128xf32, #tpu.memory_space<vmem>> -> memref<1x64x128xf32, #tpu.memory_space<vmem>>
      %dma_wait3A_112 = tpu.memref_squeeze %dma_wait3A_111 : memref<1x64x128xf32, #tpu.memory_space<vmem>> -> memref<64x128xf32, #tpu.memory_space<vmem>>
      %dma_wait3A_113 = arith.constant 0 : i32
      %dma_wait3A_114 = arith.constant 0 : i32
      %dma_wait3A_115 = tpu.memref_slice %arg3[%dma_wait3A_113, %dma_wait3A_114] : memref<64x1000000xf32, #tpu.memory_space<hbm>> -> memref<64x128xf32, #tpu.memory_space<hbm>>
      tpu.wait_dma2 semaphore(%arg15 : memref<!tpu.dma_semaphore, #tpu.memory_space<semaphore_mem>>) src(%dma_wait3A_115 : memref<64x128xf32, #tpu.memory_space<hbm>>) dst(%dma_wait3A_112 : memref<64x128xf32, #tpu.memory_space<vmem>>)
      %get3A = arith.index_cast %while3A_95 : i32 to index
      %get3A_116 = tpu.vector_load %arg11[%get3A] {strides = array<i32>} : memref<272xi32, #tpu.memory_space<vmem>>, vector<16xi32>,
      %slice3A = vector.extract_strided_slice %get3A_116 {offsets = [0], sizes = [1], strides = [1]} : vector<16xi32> to vector<1xi32>
      %squeeze3A = vector.extract %slice3A[0] : i32 from vector<1xi32>
      %get3A_117 = arith.index_cast %squeeze3A : i32 to index
      %get3A_118 = tpu.vector_load %arg9[%get3A_117] {strides = array<i32>} : memref<272xi32, #tpu.memory_space<vmem>>, vector<16xi32>,
      %slice3A_119 = vector.extract_strided_slice %get3A_118 {offsets = [0], sizes = [1], strides = [1]} : vector<16xi32> to vector<1xi32>
      %squeeze3A_120 = vector.extract %slice3A_119[0] : i32 from vector<1xi32>
      %get3A_121 = arith.index_cast %squeeze3A : i32 to index
      %get3A_122 = tpu.vector_load %arg8[%get3A_121] {strides = array<i32>} : memref<272xi32, #tpu.memory_space<vmem>>, vector<16xi32>,
      %slice3A_123 = vector.extract_strided_slice %get3A_122 {offsets = [0], sizes = [1], strides = [1]} : vector<16xi32> to vector<1xi32>
      %squeeze3A_124 = vector.extract %slice3A_123[0] : i32 from vector<1xi32>
      %rem3A_125 = arith.constant 4 : i32
      %rem3A_126 = arith.remsi %while3A_95, %rem3A_125 : i32
      %broadcast_in_dim3A_127 = vector.broadcast %rem3A_126 : i32 to vector<16xi32>
      %while3A_128 = arith.constant 0 : i32
      %while3A_129 = arith.subi %squeeze3A_124, %while3A_128 : i32
      %while3A_130 = arith.addi %while3A_128, %while3A_129 : i32
      %while3A_131 = arith.constant 1 : i32
      %while3A_132 = arith.divsi %while3A_129, %while3A_131 : i32
      %while3A_133 = arith.muli %while3A_132, %while3A_131 : i32
      %while3A_134 = arith.addi %while3A_128, %while3A_133 : i32
      %while3A_135 = arith.constant 1 : i32
      %while3A_136 = scf.for %while3A_139 = %while3A_128 to %while3A_134 step %while3A_135 iter_args(%while3A_140 = %while3A_96) -> (i32)  : i32 {
        %add3A_141 = arith.addi %squeeze3A_120, %while3A_139 : i32
        %get3A_142 = arith.index_cast %add3A_141 : i32 to index
        %get3A_143 = tpu.vector_load %arg7[%get3A_142] {strides = array<i32>} : memref<16400xi32, #tpu.memory_space<vmem>>, vector<16xi32>,
        %slice3A_144 = vector.extract_strided_slice %get3A_143 {offsets = [0], sizes = [1], strides = [1]} : vector<16xi32> to vector<1xi32>
        %squeeze3A_145 = vector.extract %slice3A_144[0] : i32 from vector<1xi32>
        %shift_right_logical3A = arith.constant 7 : i32
        %shift_right_logical3A_146 = arith.shrui %squeeze3A_145, %shift_right_logical3A : i32
        %and3A_147 = arith.constant 16383 : i32
        %and3A_148 = arith.andi %shift_right_logical3A_146, %and3A_147 : i32
        %and3A_149 = arith.constant 127 : i32
        %and3A_150 = arith.andi %squeeze3A_145, %and3A_149 : i32
        %broadcast_in_dim3A_151 = vector.broadcast %and3A_150 : i32 to vector<16xi32>
        %rem3A_152 = arith.constant 128 : i32
        %rem3A_153 = arith.remsi %while3A_140, %rem3A_152 : i32
        %broadcast_in_dim3A_154 = vector.broadcast %rem3A_153 : i32 to vector<16xi32>
        %add3A_155 = arith.constant 0 : i32
        %add3A_156 = vector.broadcast %add3A_155 : i32 to vector<16xi32>
        %add3A_157 = arith.addi %iota3A, %add3A_156 : vector<16xi32>
        %gather3A = tpu.vector_load_idx %arg12[%broadcast_in_dim3A_127, %add3A_157, %broadcast_in_dim3A_151] : memref<4x64x128xf32, #tpu.memory_space<vmem>>[vector<16xi32>, vector<16xi32>, vector<16xi32>], vector<16xf32>,
        tpu.vector_store_idx %arg13[%broadcast_in_dim3A_154, %add3A_157], %gather3A : memref<128x128xf32, #tpu.memory_space<vmem>>[vector<16xi32>, vector<16xi32>], vector<16xf32>,
        %add3A_158 = arith.constant 16 : i32
        %add3A_159 = vector.broadcast %add3A_158 : i32 to vector<16xi32>
        %add3A_160 = arith.addi %iota3A, %add3A_159 : vector<16xi32>
        %gather3A_161 = tpu.vector_load_idx %arg12[%broadcast_in_dim3A_127, %add3A_160, %broadcast_in_dim3A_151] : memref<4x64x128xf32, #tpu.memory_space<vmem>>[vector<16xi32>, vector<16xi32>, vector<16xi32>], vector<16xf32>,
        tpu.vector_store_idx %arg13[%broadcast_in_dim3A_154, %add3A_160], %gather3A_161 : memref<128x128xf32, #tpu.memory_space<vmem>>[vector<16xi32>, vector<16xi32>], vector<16xf32>,
        %add3A_162 = arith.constant 32 : i32
        %add3A_163 = vector.broadcast %add3A_162 : i32 to vector<16xi32>
        %add3A_164 = arith.addi %iota3A, %add3A_163 : vector<16xi32>
        %gather3A_165 = tpu.vector_load_idx %arg12[%broadcast_in_dim3A_127, %add3A_164, %broadcast_in_dim3A_151] : memref<4x64x128xf32, #tpu.memory_space<vmem>>[vector<16xi32>, vector<16xi32>, vector<16xi32>], vector<16xf32>,
        tpu.vector_store_idx %arg13[%broadcast_in_dim3A_154, %add3A_164], %gather3A_165 : memref<128x128xf32, #tpu.memory_space<vmem>>[vector<16xi32>, vector<16xi32>], vector<16xf32>,
        %add3A_166 = arith.constant 48 : i32
        %add3A_167 = vector.broadcast %add3A_166 : i32 to vector<16xi32>
        %add3A_168 = arith.addi %iota3A, %add3A_167 : vector<16xi32>
        %gather3A_169 = tpu.vector_load_idx %arg12[%broadcast_in_dim3A_127, %add3A_168, %broadcast_in_dim3A_151] : memref<4x64x128xf32, #tpu.memory_space<vmem>>[vector<16xi32>, vector<16xi32>, vector<16xi32>], vector<16xf32>,
        tpu.vector_store_idx %arg13[%broadcast_in_dim3A_154, %add3A_168], %gather3A_169 : memref<128x128xf32, #tpu.memory_space<vmem>>[vector<16xi32>, vector<16xi32>], vector<16xf32>,
        %broadcast_in_dim3A_170 = vector.broadcast %and3A_148 : i32 to vector<16xi32>
        tpu.vector_store_idx %arg14[%broadcast_in_dim3A_154], %broadcast_in_dim3A_170 : memref<128xi32, #tpu.memory_space<vmem>>[vector<16xi32>], vector<16xi32>,
        %eq3A = arith.constant 127 : i32
        %eq3A_171 = arith.cmpi eq, %rem3A_153, %eq3A : i32
        %convert_element_type3A_172 = arith.extui %eq3A_171 : i1 to i32
        %cond3A_173 = arith.constant 0 : i32
        %cond3A_174 = arith.cmpi ne, %convert_element_type3A_172, %cond3A_173 : i32
        scf.if %cond3A_174 {
          "tpu.region"() ({
            %run_scoped3A = tpu.sem_alloc : memref<!tpu.dma_semaphore, #tpu.memory_space<semaphore_mem>>
            %dma_start3A = arith.constant 0 : i32
            %dma_start3A_183 = arith.constant 0 : i32
            %dma_start3A_184 = tpu.memref_slice %arg4[%dma_start3A, %dma_start3A_183] : memref<16512x128xf32, #tpu.memory_space<hbm>> -> memref<16512x128xf32, #tpu.memory_space<hbm>>
            tpu.enqueue_indirect_dma source(%arg13 : memref<128x128xf32, #tpu.memory_space<vmem>>) target(%dma_start3A_184 : memref<16512x128xf32, #tpu.memory_space<hbm>>) offsets(%arg14 : memref<128xi32, #tpu.memory_space<vmem>>) semaphore(%run_scoped3A : memref<!tpu.dma_semaphore, #tpu.memory_space<semaphore_mem>>)
            %dma_wait3A_185 = arith.constant 0 : i32
            %dma_wait3A_186 = arith.constant 0 : i32
            %dma_wait3A_187 = tpu.memref_slice %arg4[%dma_wait3A_185, %dma_wait3A_186] : memref<16512x128xf32, #tpu.memory_space<hbm>> -> memref<16512x128xf32, #tpu.memory_space<hbm>>
            tpu.wait_indirect_dma semaphore(%run_scoped3A : memref<!tpu.dma_semaphore, #tpu.memory_space<semaphore_mem>>) src(%arg13 : memref<128x128xf32, #tpu.memory_space<vmem>>) dst(%dma_wait3A_187 : memref<16512x128xf32, #tpu.memory_space<hbm>>)
            tpu.yield
          }) : () -> ()
          %scan3A_177 = arith.constant 0 : i32
          %scan3A_178 = arith.constant 0 : i32
          %scan3A_179 = arith.constant 8 : i32
          %scan3A_180 = arith.addi %scan3A_178, %scan3A_179 : i32
          %scan3A_181 = arith.constant 1 : i32
          scf.for %scan3A_183 = %scan3A_178 to %scan3A_180 step %scan3A_181  : i32 {
            %mul3A_184 = arith.constant 16 : i32
            %mul3A_185 = arith.muli %scan3A_183, %mul3A_184 : i32
            %add3A_186 = arith.constant 16384 : i32
            %add3A_187 = arith.addi %add3A_186, %mul3A_185 : i32
            %add3A_188 = vector.broadcast %add3A_187 : i32 to vector<16xi32>
            %add3A_189 = arith.addi %add3A_188, %iota3A : vector<16xi32>
            %mul3A_190 = arith.constant 16 : i32
            %mul3A_191 = arith.muli %scan3A_183, %mul3A_190 : i32
            %swap3A = arith.index_cast %mul3A_191 : i32 to index
            %swap3A_192 = tpu.vector_load %arg14[%swap3A] {strides = array<i32>} : memref<128xi32, #tpu.memory_space<vmem>>, vector<16xi32>,
            tpu.vector_store %arg14[%swap3A], %add3A_189 {strides = array<i32>} : memref<128xi32, #tpu.memory_space<vmem>>, vector<16xi32>,
          }
          %scan3A_182 = arith.constant 8 : i32
        } else {
        }
        %add3A_175 = arith.constant 1 : i32
        %add3A_176 = arith.addi %while3A_140, %add3A_175 : i32
        scf.yield %add3A_176 : i32
      }
      %while3A_137 = arith.constant 1 : i32
      %while3A_138 = scf.for %while3A_139 = %while3A_134 to %while3A_130 step %while3A_137 iter_args(%while3A_140 = %while3A_136) -> (i32)  : i32 {
        %add3A_141 = arith.addi %squeeze3A_120, %while3A_139 : i32
        %get3A_142 = arith.index_cast %add3A_141 : i32 to index
        %get3A_143 = tpu.vector_load %arg7[%get3A_142] {strides = array<i32>} : memref<16400xi32, #tpu.memory_space<vmem>>, vector<16xi32>,
        %slice3A_144 = vector.extract_strided_slice %get3A_143 {offsets = [0], sizes = [1], strides = [1]} : vector<16xi32> to vector<1xi32>
        %squeeze3A_145 = vector.extract %slice3A_144[0] : i32 from vector<1xi32>
        %shift_right_logical3A = arith.constant 7 : i32
        %shift_right_logical3A_146 = arith.shrui %squeeze3A_145, %shift_right_logical3A : i32
        %and3A_147 = arith.constant 16383 : i32
        %and3A_148 = arith.andi %shift_right_logical3A_146, %and3A_147 : i32
        %and3A_149 = arith.constant 127 : i32
        %and3A_150 = arith.andi %squeeze3A_145, %and3A_149 : i32
        %broadcast_in_dim3A_151 = vector.broadcast %and3A_150 : i32 to vector<16xi32>
        %rem3A_152 = arith.constant 128 : i32
        %rem3A_153 = arith.remsi %while3A_140, %rem3A_152 : i32
        %broadcast_in_dim3A_154 = vector.broadcast %rem3A_153 : i32 to vector<16xi32>
        %add3A_155 = arith.constant 0 : i32
        %add3A_156 = vector.broadcast %add3A_155 : i32 to vector<16xi32>
        %add3A_157 = arith.addi %iota3A, %add3A_156 : vector<16xi32>
        %gather3A = tpu.vector_load_idx %arg12[%broadcast_in_dim3A_127, %add3A_157, %broadcast_in_dim3A_151] : memref<4x64x128xf32, #tpu.memory_space<vmem>>[vector<16xi32>, vector<16xi32>, vector<16xi32>], vector<16xf32>,
        tpu.vector_store_idx %arg13[%broadcast_in_dim3A_154, %add3A_157], %gather3A : memref<128x128xf32, #tpu.memory_space<vmem>>[vector<16xi32>, vector<16xi32>], vector<16xf32>,
        %add3A_158 = arith.constant 16 : i32
        %add3A_159 = vector.broadcast %add3A_158 : i32 to vector<16xi32>
        %add3A_160 = arith.addi %iota3A, %add3A_159 : vector<16xi32>
        %gather3A_161 = tpu.vector_load_idx %arg12[%broadcast_in_dim3A_127, %add3A_160, %broadcast_in_dim3A_151] : memref<4x64x128xf32, #tpu.memory_space<vmem>>[vector<16xi32>, vector<16xi32>, vector<16xi32>], vector<16xf32>,
        tpu.vector_store_idx %arg13[%broadcast_in_dim3A_154, %add3A_160], %gather3A_161 : memref<128x128xf32, #tpu.memory_space<vmem>>[vector<16xi32>, vector<16xi32>], vector<16xf32>,
        %add3A_162 = arith.constant 32 : i32
        %add3A_163 = vector.broadcast %add3A_162 : i32 to vector<16xi32>
        %add3A_164 = arith.addi %iota3A, %add3A_163 : vector<16xi32>
        %gather3A_165 = tpu.vector_load_idx %arg12[%broadcast_in_dim3A_127, %add3A_164, %broadcast_in_dim3A_151] : memref<4x64x128xf32, #tpu.memory_space<vmem>>[vector<16xi32>, vector<16xi32>, vector<16xi32>], vector<16xf32>,
        tpu.vector_store_idx %arg13[%broadcast_in_dim3A_154, %add3A_164], %gather3A_165 : memref<128x128xf32, #tpu.memory_space<vmem>>[vector<16xi32>, vector<16xi32>], vector<16xf32>,
        %add3A_166 = arith.constant 48 : i32
        %add3A_167 = vector.broadcast %add3A_166 : i32 to vector<16xi32>
        %add3A_168 = arith.addi %iota3A, %add3A_167 : vector<16xi32>
        %gather3A_169 = tpu.vector_load_idx %arg12[%broadcast_in_dim3A_127, %add3A_168, %broadcast_in_dim3A_151] : memref<4x64x128xf32, #tpu.memory_space<vmem>>[vector<16xi32>, vector<16xi32>, vector<16xi32>], vector<16xf32>,
        tpu.vector_store_idx %arg13[%broadcast_in_dim3A_154, %add3A_168], %gather3A_169 : memref<128x128xf32, #tpu.memory_space<vmem>>[vector<16xi32>, vector<16xi32>], vector<16xf32>,
        %broadcast_in_dim3A_170 = vector.broadcast %and3A_148 : i32 to vector<16xi32>
        tpu.vector_store_idx %arg14[%broadcast_in_dim3A_154], %broadcast_in_dim3A_170 : memref<128xi32, #tpu.memory_space<vmem>>[vector<16xi32>], vector<16xi32>,
        %eq3A = arith.constant 127 : i32
        %eq3A_171 = arith.cmpi eq, %rem3A_153, %eq3A : i32
        %convert_element_type3A_172 = arith.extui %eq3A_171 : i1 to i32
        %cond3A_173 = arith.constant 0 : i32
        %cond3A_174 = arith.cmpi ne, %convert_element_type3A_172, %cond3A_173 : i32
        scf.if %cond3A_174 {
          "tpu.region"() ({
            %run_scoped3A = tpu.sem_alloc : memref<!tpu.dma_semaphore, #tpu.memory_space<semaphore_mem>>
            %dma_start3A = arith.constant 0 : i32
            %dma_start3A_183 = arith.constant 0 : i32
            %dma_start3A_184 = tpu.memref_slice %arg4[%dma_start3A, %dma_start3A_183] : memref<16512x128xf32, #tpu.memory_space<hbm>> -> memref<16512x128xf32, #tpu.memory_space<hbm>>
            tpu.enqueue_indirect_dma source(%arg13 : memref<128x128xf32, #tpu.memory_space<vmem>>) target(%dma_start3A_184 : memref<16512x128xf32, #tpu.memory_space<hbm>>) offsets(%arg14 : memref<128xi32, #tpu.memory_space<vmem>>) semaphore(%run_scoped3A : memref<!tpu.dma_semaphore, #tpu.memory_space<semaphore_mem>>)
            %dma_wait3A_185 = arith.constant 0 : i32
            %dma_wait3A_186 = arith.constant 0 : i32
            %dma_wait3A_187 = tpu.memref_slice %arg4[%dma_wait3A_185, %dma_wait3A_186] : memref<16512x128xf32, #tpu.memory_space<hbm>> -> memref<16512x128xf32, #tpu.memory_space<hbm>>
            tpu.wait_indirect_dma semaphore(%run_scoped3A : memref<!tpu.dma_semaphore, #tpu.memory_space<semaphore_mem>>) src(%arg13 : memref<128x128xf32, #tpu.memory_space<vmem>>) dst(%dma_wait3A_187 : memref<16512x128xf32, #tpu.memory_space<hbm>>)
            tpu.yield
          }) : () -> ()
          %scan3A_177 = arith.constant 0 : i32
          %scan3A_178 = arith.constant 0 : i32
          %scan3A_179 = arith.constant 8 : i32
          %scan3A_180 = arith.addi %scan3A_178, %scan3A_179 : i32
          %scan3A_181 = arith.constant 1 : i32
          scf.for %scan3A_183 = %scan3A_178 to %scan3A_180 step %scan3A_181  : i32 {
            %mul3A_184 = arith.constant 16 : i32
            %mul3A_185 = arith.muli %scan3A_183, %mul3A_184 : i32
            %add3A_186 = arith.constant 16384 : i32
            %add3A_187 = arith.addi %add3A_186, %mul3A_185 : i32
            %add3A_188 = vector.broadcast %add3A_187 : i32 to vector<16xi32>
            %add3A_189 = arith.addi %add3A_188, %iota3A : vector<16xi32>
            %mul3A_190 = arith.constant 16 : i32
            %mul3A_191 = arith.muli %scan3A_183, %mul3A_190 : i32
            %swap3A = arith.index_cast %mul3A_191 : i32 to index
            %swap3A_192 = tpu.vector_load %arg14[%swap3A] {strides = array<i32>} : memref<128xi32, #tpu.memory_space<vmem>>, vector<16xi32>,
            tpu.vector_store %arg14[%swap3A], %add3A_189 {strides = array<i32>} : memref<128xi32, #tpu.memory_space<vmem>>, vector<16xi32>,
          }
          %scan3A_182 = arith.constant 8 : i32
        } else {
        }
        %add3A_175 = arith.constant 1 : i32
        %add3A_176 = arith.addi %while3A_140, %add3A_175 : i32
        scf.yield %add3A_176 : i32
      }
      scf.yield %while3A_138 : i32
    }
    %while3A_86 = arith.constant 1 : i32
    %while3A_87 = scf.for %while3A_95 = %while3A_83 to %while3A_79 step %while3A_86 iter_args(%while3A_96 = %while3A_85) -> (i32)  : i32 {
      %add3A_97 = arith.constant 3 : i32
      %add3A_98 = arith.addi %while3A_95, %add3A_97 : i32
      %lt3A = arith.cmpi slt, %add3A_98, %scan3A_53#1 : i32
      %convert_element_type3A_99 = arith.extui %lt3A : i1 to i32
      %cond3A_100 = arith.constant 0 : i32
      %cond3A_101 = arith.cmpi ne, %convert_element_type3A_99, %cond3A_100 : i32
      scf.if %cond3A_101 {
        %add3A_139 = arith.constant 3 : i32
        %add3A_140 = arith.addi %while3A_95, %add3A_139 : i32
        %get3A_141 = arith.index_cast %add3A_140 : i32 to index
        %get3A_142 = tpu.vector_load %arg11[%get3A_141] {strides = array<i32>} : memref<272xi32, #tpu.memory_space<vmem>>, vector<16xi32>,
        %slice3A_143 = vector.extract_strided_slice %get3A_142 {offsets = [0], sizes = [1], strides = [1]} : vector<16xi32> to vector<1xi32>
        %squeeze3A_144 = vector.extract %slice3A_143[0] : i32 from vector<1xi32>
        %add3A_145 = arith.addi %squeeze3A_144, %mul3A_5 : i32
        %mul3A_146 = arith.constant 128 : i32
        %mul3A_147 = arith.muli %add3A_145, %mul3A_146 : i32
        %multiple_of3A = tpu.assume_multiple %mul3A_147, 128 : i32
        %rem3A_148 = arith.constant 4 : i32
        %rem3A_149 = arith.remsi %add3A_140, %rem3A_148 : i32
        %dma_start3A = arith.constant 0 : i32
        %dma_start3A_150 = arith.constant 0 : i32
        %dma_start3A_151 = tpu.memref_slice %arg12[%rem3A_149, %dma_start3A, %dma_start3A_150] : memref<4x64x128xf32, #tpu.memory_space<vmem>> -> memref<1x64x128xf32, #tpu.memory_space<vmem>>
        %dma_start3A_152 = tpu.memref_squeeze %dma_start3A_151 : memref<1x64x128xf32, #tpu.memory_space<vmem>> -> memref<64x128xf32, #tpu.memory_space<vmem>>
        %dma_start3A_153 = arith.constant 0 : i32
        %dma_start3A_154 = tpu.memref_slice %arg3[%dma_start3A_153, %multiple_of3A] : memref<64x1000000xf32, #tpu.memory_space<hbm>> -> memref<64x128xf32, #tpu.memory_space<hbm>>
        %dma_start3A_155 = arith.constant 0 : i32
        %dma_start3A_156 = arith.constant 0 : i32
        %dma_start3A_157 = tpu.memref_slice %arg12[%rem3A_149, %dma_start3A_155, %dma_start3A_156] : memref<4x64x128xf32, #tpu.memory_space<vmem>> -> memref<1x64x128xf32, #tpu.memory_space<vmem>>
        %dma_start3A_158 = tpu.memref_squeeze %dma_start3A_157 : memref<1x64x128xf32, #tpu.memory_space<vmem>> -> memref<64x128xf32, #tpu.memory_space<vmem>>
        %dma_start3A_159 = arith.constant 0 : i32
        %dma_start3A_160 = tpu.memref_slice %arg3[%dma_start3A_159, %multiple_of3A] : memref<64x1000000xf32, #tpu.memory_space<hbm>> -> memref<64x128xf32, #tpu.memory_space<hbm>>
        tpu.enqueue_dma source(%dma_start3A_160 : memref<64x128xf32, #tpu.memory_space<hbm>>) target(%dma_start3A_158 : memref<64x128xf32, #tpu.memory_space<vmem>>) target_semaphore(%arg15 : memref<!tpu.dma_semaphore, #tpu.memory_space<semaphore_mem>>)
      } else {
      }
      %dma_wait3A = arith.constant 0 : i32
      %dma_wait3A_102 = arith.constant 0 : i32
      %dma_wait3A_103 = arith.constant 0 : i32
      %dma_wait3A_104 = tpu.memref_slice %arg12[%dma_wait3A, %dma_wait3A_102, %dma_wait3A_103] : memref<4x64x128xf32, #tpu.memory_space<vmem>> -> memref<1x64x128xf32, #tpu.memory_space<vmem>>
      %dma_wait3A_105 = tpu.memref_squeeze %dma_wait3A_104 : memref<1x64x128xf32, #tpu.memory_space<vmem>> -> memref<64x128xf32, #tpu.memory_space<vmem>>
      %dma_wait3A_106 = arith.constant 0 : i32
      %dma_wait3A_107 = arith.constant 0 : i32
      %dma_wait3A_108 = tpu.memref_slice %arg3[%dma_wait3A_106, %dma_wait3A_107] : memref<64x1000000xf32, #tpu.memory_space<hbm>> -> memref<64x128xf32, #tpu.memory_space<hbm>>
      %dma_wait3A_109 = arith.constant 0 : i32
      %dma_wait3A_110 = arith.constant 0 : i32
      %dma_wait3A_111 = tpu.memref_slice %arg12[%dma_wait3A, %dma_wait3A_109, %dma_wait3A_110] : memref<4x64x128xf32, #tpu.memory_space<vmem>> -> memref<1x64x128xf32, #tpu.memory_space<vmem>>
      %dma_wait3A_112 = tpu.memref_squeeze %dma_wait3A_111 : memref<1x64x128xf32, #tpu.memory_space<vmem>> -> memref<64x128xf32, #tpu.memory_space<vmem>>
      %dma_wait3A_113 = arith.constant 0 : i32
      %dma_wait3A_114 = arith.constant 0 : i32
      %dma_wait3A_115 = tpu.memref_slice %arg3[%dma_wait3A_113, %dma_wait3A_114] : memref<64x1000000xf32, #tpu.memory_space<hbm>> -> memref<64x128xf32, #tpu.memory_space<hbm>>
      tpu.wait_dma2 semaphore(%arg15 : memref<!tpu.dma_semaphore, #tpu.memory_space<semaphore_mem>>) src(%dma_wait3A_115 : memref<64x128xf32, #tpu.memory_space<hbm>>) dst(%dma_wait3A_112 : memref<64x128xf32, #tpu.memory_space<vmem>>)
      %get3A = arith.index_cast %while3A_95 : i32 to index
      %get3A_116 = tpu.vector_load %arg11[%get3A] {strides = array<i32>} : memref<272xi32, #tpu.memory_space<vmem>>, vector<16xi32>,
      %slice3A = vector.extract_strided_slice %get3A_116 {offsets = [0], sizes = [1], strides = [1]} : vector<16xi32> to vector<1xi32>
      %squeeze3A = vector.extract %slice3A[0] : i32 from vector<1xi32>
      %get3A_117 = arith.index_cast %squeeze3A : i32 to index
      %get3A_118 = tpu.vector_load %arg9[%get3A_117] {strides = array<i32>} : memref<272xi32, #tpu.memory_space<vmem>>, vector<16xi32>,
      %slice3A_119 = vector.extract_strided_slice %get3A_118 {offsets = [0], sizes = [1], strides = [1]} : vector<16xi32> to vector<1xi32>
      %squeeze3A_120 = vector.extract %slice3A_119[0] : i32 from vector<1xi32>
      %get3A_121 = arith.index_cast %squeeze3A : i32 to index
      %get3A_122 = tpu.vector_load %arg8[%get3A_121] {strides = array<i32>} : memref<272xi32, #tpu.memory_space<vmem>>, vector<16xi32>,
      %slice3A_123 = vector.extract_strided_slice %get3A_122 {offsets = [0], sizes = [1], strides = [1]} : vector<16xi32> to vector<1xi32>
      %squeeze3A_124 = vector.extract %slice3A_123[0] : i32 from vector<1xi32>
      %rem3A_125 = arith.constant 4 : i32
      %rem3A_126 = arith.remsi %while3A_95, %rem3A_125 : i32
      %broadcast_in_dim3A_127 = vector.broadcast %rem3A_126 : i32 to vector<16xi32>
      %while3A_128 = arith.constant 0 : i32
      %while3A_129 = arith.subi %squeeze3A_124, %while3A_128 : i32
      %while3A_130 = arith.addi %while3A_128, %while3A_129 : i32
      %while3A_131 = arith.constant 1 : i32
      %while3A_132 = arith.divsi %while3A_129, %while3A_131 : i32
      %while3A_133 = arith.muli %while3A_132, %while3A_131 : i32
      %while3A_134 = arith.addi %while3A_128, %while3A_133 : i32
      %while3A_135 = arith.constant 1 : i32
      %while3A_136 = scf.for %while3A_139 = %while3A_128 to %while3A_134 step %while3A_135 iter_args(%while3A_140 = %while3A_96) -> (i32)  : i32 {
        %add3A_141 = arith.addi %squeeze3A_120, %while3A_139 : i32
        %get3A_142 = arith.index_cast %add3A_141 : i32 to index
        %get3A_143 = tpu.vector_load %arg7[%get3A_142] {strides = array<i32>} : memref<16400xi32, #tpu.memory_space<vmem>>, vector<16xi32>,
        %slice3A_144 = vector.extract_strided_slice %get3A_143 {offsets = [0], sizes = [1], strides = [1]} : vector<16xi32> to vector<1xi32>
        %squeeze3A_145 = vector.extract %slice3A_144[0] : i32 from vector<1xi32>
        %shift_right_logical3A = arith.constant 7 : i32
        %shift_right_logical3A_146 = arith.shrui %squeeze3A_145, %shift_right_logical3A : i32
        %and3A_147 = arith.constant 16383 : i32
        %and3A_148 = arith.andi %shift_right_logical3A_146, %and3A_147 : i32
        %and3A_149 = arith.constant 127 : i32
        %and3A_150 = arith.andi %squeeze3A_145, %and3A_149 : i32
        %broadcast_in_dim3A_151 = vector.broadcast %and3A_150 : i32 to vector<16xi32>
        %rem3A_152 = arith.constant 128 : i32
        %rem3A_153 = arith.remsi %while3A_140, %rem3A_152 : i32
        %broadcast_in_dim3A_154 = vector.broadcast %rem3A_153 : i32 to vector<16xi32>
        %add3A_155 = arith.constant 0 : i32
        %add3A_156 = vector.broadcast %add3A_155 : i32 to vector<16xi32>
        %add3A_157 = arith.addi %iota3A, %add3A_156 : vector<16xi32>
        %gather3A = tpu.vector_load_idx %arg12[%broadcast_in_dim3A_127, %add3A_157, %broadcast_in_dim3A_151] : memref<4x64x128xf32, #tpu.memory_space<vmem>>[vector<16xi32>, vector<16xi32>, vector<16xi32>], vector<16xf32>,
        tpu.vector_store_idx %arg13[%broadcast_in_dim3A_154, %add3A_157], %gather3A : memref<128x128xf32, #tpu.memory_space<vmem>>[vector<16xi32>, vector<16xi32>], vector<16xf32>,
        %add3A_158 = arith.constant 16 : i32
        %add3A_159 = vector.broadcast %add3A_158 : i32 to vector<16xi32>
        %add3A_160 = arith.addi %iota3A, %add3A_159 : vector<16xi32>
        %gather3A_161 = tpu.vector_load_idx %arg12[%broadcast_in_dim3A_127, %add3A_160, %broadcast_in_dim3A_151] : memref<4x64x128xf32, #tpu.memory_space<vmem>>[vector<16xi32>, vector<16xi32>, vector<16xi32>], vector<16xf32>,
        tpu.vector_store_idx %arg13[%broadcast_in_dim3A_154, %add3A_160], %gather3A_161 : memref<128x128xf32, #tpu.memory_space<vmem>>[vector<16xi32>, vector<16xi32>], vector<16xf32>,
        %add3A_162 = arith.constant 32 : i32
        %add3A_163 = vector.broadcast %add3A_162 : i32 to vector<16xi32>
        %add3A_164 = arith.addi %iota3A, %add3A_163 : vector<16xi32>
        %gather3A_165 = tpu.vector_load_idx %arg12[%broadcast_in_dim3A_127, %add3A_164, %broadcast_in_dim3A_151] : memref<4x64x128xf32, #tpu.memory_space<vmem>>[vector<16xi32>, vector<16xi32>, vector<16xi32>], vector<16xf32>,
        tpu.vector_store_idx %arg13[%broadcast_in_dim3A_154, %add3A_164], %gather3A_165 : memref<128x128xf32, #tpu.memory_space<vmem>>[vector<16xi32>, vector<16xi32>], vector<16xf32>,
        %add3A_166 = arith.constant 48 : i32
        %add3A_167 = vector.broadcast %add3A_166 : i32 to vector<16xi32>
        %add3A_168 = arith.addi %iota3A, %add3A_167 : vector<16xi32>
        %gather3A_169 = tpu.vector_load_idx %arg12[%broadcast_in_dim3A_127, %add3A_168, %broadcast_in_dim3A_151] : memref<4x64x128xf32, #tpu.memory_space<vmem>>[vector<16xi32>, vector<16xi32>, vector<16xi32>], vector<16xf32>,
        tpu.vector_store_idx %arg13[%broadcast_in_dim3A_154, %add3A_168], %gather3A_169 : memref<128x128xf32, #tpu.memory_space<vmem>>[vector<16xi32>, vector<16xi32>], vector<16xf32>,
        %broadcast_in_dim3A_170 = vector.broadcast %and3A_148 : i32 to vector<16xi32>
        tpu.vector_store_idx %arg14[%broadcast_in_dim3A_154], %broadcast_in_dim3A_170 : memref<128xi32, #tpu.memory_space<vmem>>[vector<16xi32>], vector<16xi32>,
        %eq3A = arith.constant 127 : i32
        %eq3A_171 = arith.cmpi eq, %rem3A_153, %eq3A : i32
        %convert_element_type3A_172 = arith.extui %eq3A_171 : i1 to i32
        %cond3A_173 = arith.constant 0 : i32
        %cond3A_174 = arith.cmpi ne, %convert_element_type3A_172, %cond3A_173 : i32
        scf.if %cond3A_174 {
          "tpu.region"() ({
            %run_scoped3A = tpu.sem_alloc : memref<!tpu.dma_semaphore, #tpu.memory_space<semaphore_mem>>
            %dma_start3A = arith.constant 0 : i32
            %dma_start3A_183 = arith.constant 0 : i32
            %dma_start3A_184 = tpu.memref_slice %arg4[%dma_start3A, %dma_start3A_183] : memref<16512x128xf32, #tpu.memory_space<hbm>> -> memref<16512x128xf32, #tpu.memory_space<hbm>>
            tpu.enqueue_indirect_dma source(%arg13 : memref<128x128xf32, #tpu.memory_space<vmem>>) target(%dma_start3A_184 : memref<16512x128xf32, #tpu.memory_space<hbm>>) offsets(%arg14 : memref<128xi32, #tpu.memory_space<vmem>>) semaphore(%run_scoped3A : memref<!tpu.dma_semaphore, #tpu.memory_space<semaphore_mem>>)
            %dma_wait3A_185 = arith.constant 0 : i32
            %dma_wait3A_186 = arith.constant 0 : i32
            %dma_wait3A_187 = tpu.memref_slice %arg4[%dma_wait3A_185, %dma_wait3A_186] : memref<16512x128xf32, #tpu.memory_space<hbm>> -> memref<16512x128xf32, #tpu.memory_space<hbm>>
            tpu.wait_indirect_dma semaphore(%run_scoped3A : memref<!tpu.dma_semaphore, #tpu.memory_space<semaphore_mem>>) src(%arg13 : memref<128x128xf32, #tpu.memory_space<vmem>>) dst(%dma_wait3A_187 : memref<16512x128xf32, #tpu.memory_space<hbm>>)
            tpu.yield
          }) : () -> ()
          %scan3A_177 = arith.constant 0 : i32
          %scan3A_178 = arith.constant 0 : i32
          %scan3A_179 = arith.constant 8 : i32
          %scan3A_180 = arith.addi %scan3A_178, %scan3A_179 : i32
          %scan3A_181 = arith.constant 1 : i32
          scf.for %scan3A_183 = %scan3A_178 to %scan3A_180 step %scan3A_181  : i32 {
            %mul3A_184 = arith.constant 16 : i32
            %mul3A_185 = arith.muli %scan3A_183, %mul3A_184 : i32
            %add3A_186 = arith.constant 16384 : i32
            %add3A_187 = arith.addi %add3A_186, %mul3A_185 : i32
            %add3A_188 = vector.broadcast %add3A_187 : i32 to vector<16xi32>
            %add3A_189 = arith.addi %add3A_188, %iota3A : vector<16xi32>
            %mul3A_190 = arith.constant 16 : i32
            %mul3A_191 = arith.muli %scan3A_183, %mul3A_190 : i32
            %swap3A = arith.index_cast %mul3A_191 : i32 to index
            %swap3A_192 = tpu.vector_load %arg14[%swap3A] {strides = array<i32>} : memref<128xi32, #tpu.memory_space<vmem>>, vector<16xi32>,
            tpu.vector_store %arg14[%swap3A], %add3A_189 {strides = array<i32>} : memref<128xi32, #tpu.memory_space<vmem>>, vector<16xi32>,
          }
          %scan3A_182 = arith.constant 8 : i32
        } else {
        }
        %add3A_175 = arith.constant 1 : i32
        %add3A_176 = arith.addi %while3A_140, %add3A_175 : i32
        scf.yield %add3A_176 : i32
      }
      %while3A_137 = arith.constant 1 : i32
      %while3A_138 = scf.for %while3A_139 = %while3A_134 to %while3A_130 step %while3A_137 iter_args(%while3A_140 = %while3A_136) -> (i32)  : i32 {
        %add3A_141 = arith.addi %squeeze3A_120, %while3A_139 : i32
        %get3A_142 = arith.index_cast %add3A_141 : i32 to index
        %get3A_143 = tpu.vector_load %arg7[%get3A_142] {strides = array<i32>} : memref<16400xi32, #tpu.memory_space<vmem>>, vector<16xi32>,
        %slice3A_144 = vector.extract_strided_slice %get3A_143 {offsets = [0], sizes = [1], strides = [1]} : vector<16xi32> to vector<1xi32>
        %squeeze3A_145 = vector.extract %slice3A_144[0] : i32 from vector<1xi32>
        %shift_right_logical3A = arith.constant 7 : i32
        %shift_right_logical3A_146 = arith.shrui %squeeze3A_145, %shift_right_logical3A : i32
        %and3A_147 = arith.constant 16383 : i32
        %and3A_148 = arith.andi %shift_right_logical3A_146, %and3A_147 : i32
        %and3A_149 = arith.constant 127 : i32
        %and3A_150 = arith.andi %squeeze3A_145, %and3A_149 : i32
        %broadcast_in_dim3A_151 = vector.broadcast %and3A_150 : i32 to vector<16xi32>
        %rem3A_152 = arith.constant 128 : i32
        %rem3A_153 = arith.remsi %while3A_140, %rem3A_152 : i32
        %broadcast_in_dim3A_154 = vector.broadcast %rem3A_153 : i32 to vector<16xi32>
        %add3A_155 = arith.constant 0 : i32
        %add3A_156 = vector.broadcast %add3A_155 : i32 to vector<16xi32>
        %add3A_157 = arith.addi %iota3A, %add3A_156 : vector<16xi32>
        %gather3A = tpu.vector_load_idx %arg12[%broadcast_in_dim3A_127, %add3A_157, %broadcast_in_dim3A_151] : memref<4x64x128xf32, #tpu.memory_space<vmem>>[vector<16xi32>, vector<16xi32>, vector<16xi32>], vector<16xf32>,
        tpu.vector_store_idx %arg13[%broadcast_in_dim3A_154, %add3A_157], %gather3A : memref<128x128xf32, #tpu.memory_space<vmem>>[vector<16xi32>, vector<16xi32>], vector<16xf32>,
        %add3A_158 = arith.constant 16 : i32
        %add3A_159 = vector.broadcast %add3A_158 : i32 to vector<16xi32>
        %add3A_160 = arith.addi %iota3A, %add3A_159 : vector<16xi32>
        %gather3A_161 = tpu.vector_load_idx %arg12[%broadcast_in_dim3A_127, %add3A_160, %broadcast_in_dim3A_151] : memref<4x64x128xf32, #tpu.memory_space<vmem>>[vector<16xi32>, vector<16xi32>, vector<16xi32>], vector<16xf32>,
        tpu.vector_store_idx %arg13[%broadcast_in_dim3A_154, %add3A_160], %gather3A_161 : memref<128x128xf32, #tpu.memory_space<vmem>>[vector<16xi32>, vector<16xi32>], vector<16xf32>,
        %add3A_162 = arith.constant 32 : i32
        %add3A_163 = vector.broadcast %add3A_162 : i32 to vector<16xi32>
        %add3A_164 = arith.addi %iota3A, %add3A_163 : vector<16xi32>
        %gather3A_165 = tpu.vector_load_idx %arg12[%broadcast_in_dim3A_127, %add3A_164, %broadcast_in_dim3A_151] : memref<4x64x128xf32, #tpu.memory_space<vmem>>[vector<16xi32>, vector<16xi32>, vector<16xi32>], vector<16xf32>,
        tpu.vector_store_idx %arg13[%broadcast_in_dim3A_154, %add3A_164], %gather3A_165 : memref<128x128xf32, #tpu.memory_space<vmem>>[vector<16xi32>, vector<16xi32>], vector<16xf32>,
        %add3A_166 = arith.constant 48 : i32
        %add3A_167 = vector.broadcast %add3A_166 : i32 to vector<16xi32>
        %add3A_168 = arith.addi %iota3A, %add3A_167 : vector<16xi32>
        %gather3A_169 = tpu.vector_load_idx %arg12[%broadcast_in_dim3A_127, %add3A_168, %broadcast_in_dim3A_151] : memref<4x64x128xf32, #tpu.memory_space<vmem>>[vector<16xi32>, vector<16xi32>, vector<16xi32>], vector<16xf32>,
        tpu.vector_store_idx %arg13[%broadcast_in_dim3A_154, %add3A_168], %gather3A_169 : memref<128x128xf32, #tpu.memory_space<vmem>>[vector<16xi32>, vector<16xi32>], vector<16xf32>,
        %broadcast_in_dim3A_170 = vector.broadcast %and3A_148 : i32 to vector<16xi32>
        tpu.vector_store_idx %arg14[%broadcast_in_dim3A_154], %broadcast_in_dim3A_170 : memref<128xi32, #tpu.memory_space<vmem>>[vector<16xi32>], vector<16xi32>,
        %eq3A = arith.constant 127 : i32
        %eq3A_171 = arith.cmpi eq, %rem3A_153, %eq3A : i32
        %convert_element_type3A_172 = arith.extui %eq3A_171 : i1 to i32
        %cond3A_173 = arith.constant 0 : i32
        %cond3A_174 = arith.cmpi ne, %convert_element_type3A_172, %cond3A_173 : i32
        scf.if %cond3A_174 {
          "tpu.region"() ({
            %run_scoped3A = tpu.sem_alloc : memref<!tpu.dma_semaphore, #tpu.memory_space<semaphore_mem>>
            %dma_start3A = arith.constant 0 : i32
            %dma_start3A_183 = arith.constant 0 : i32
            %dma_start3A_184 = tpu.memref_slice %arg4[%dma_start3A, %dma_start3A_183] : memref<16512x128xf32, #tpu.memory_space<hbm>> -> memref<16512x128xf32, #tpu.memory_space<hbm>>
            tpu.enqueue_indirect_dma source(%arg13 : memref<128x128xf32, #tpu.memory_space<vmem>>) target(%dma_start3A_184 : memref<16512x128xf32, #tpu.memory_space<hbm>>) offsets(%arg14 : memref<128xi32, #tpu.memory_space<vmem>>) semaphore(%run_scoped3A : memref<!tpu.dma_semaphore, #tpu.memory_space<semaphore_mem>>)
            %dma_wait3A_185 = arith.constant 0 : i32
            %dma_wait3A_186 = arith.constant 0 : i32
            %dma_wait3A_187 = tpu.memref_slice %arg4[%dma_wait3A_185, %dma_wait3A_186] : memref<16512x128xf32, #tpu.memory_space<hbm>> -> memref<16512x128xf32, #tpu.memory_space<hbm>>
            tpu.wait_indirect_dma semaphore(%run_scoped3A : memref<!tpu.dma_semaphore, #tpu.memory_space<semaphore_mem>>) src(%arg13 : memref<128x128xf32, #tpu.memory_space<vmem>>) dst(%dma_wait3A_187 : memref<16512x128xf32, #tpu.memory_space<hbm>>)
            tpu.yield
          }) : () -> ()
          %scan3A_177 = arith.constant 0 : i32
          %scan3A_178 = arith.constant 0 : i32
          %scan3A_179 = arith.constant 8 : i32
          %scan3A_180 = arith.addi %scan3A_178, %scan3A_179 : i32
          %scan3A_181 = arith.constant 1 : i32
          scf.for %scan3A_183 = %scan3A_178 to %scan3A_180 step %scan3A_181  : i32 {
            %mul3A_184 = arith.constant 16 : i32
            %mul3A_185 = arith.muli %scan3A_183, %mul3A_184 : i32
            %add3A_186 = arith.constant 16384 : i32
            %add3A_187 = arith.addi %add3A_186, %mul3A_185 : i32
            %add3A_188 = vector.broadcast %add3A_187 : i32 to vector<16xi32>
            %add3A_189 = arith.addi %add3A_188, %iota3A : vector<16xi32>
            %mul3A_190 = arith.constant 16 : i32
            %mul3A_191 = arith.muli %scan3A_183, %mul3A_190 : i32
            %swap3A = arith.index_cast %mul3A_191 : i32 to index
            %swap3A_192 = tpu.vector_load %arg14[%swap3A] {strides = array<i32>} : memref<128xi32, #tpu.memory_space<vmem>>, vector<16xi32>,
            tpu.vector_store %arg14[%swap3A], %add3A_189 {strides = array<i32>} : memref<128xi32, #tpu.memory_space<vmem>>, vector<16xi32>,
          }
          %scan3A_182 = arith.constant 8 : i32
        } else {
        }
        %add3A_175 = arith.constant 1 : i32
        %add3A_176 = arith.addi %while3A_140, %add3A_175 : i32
        scf.yield %add3A_176 : i32
      }
      scf.yield %while3A_138 : i32
    }
    %rem3A_88 = arith.constant 128 : i32
    %rem3A_89 = arith.remsi %while3A_87, %rem3A_88 : i32
    %ne3A_90 = arith.constant 0 : i32
    %ne3A_91 = arith.cmpi ne, %rem3A_89, %ne3A_90 : i32
    %convert_element_type3A_92 = arith.extui %ne3A_91 : i1 to i32
    %cond3A_93 = arith.constant 0 : i32
    %cond3A_94 = arith.cmpi ne, %convert_element_type3A_92, %cond3A_93 : i32
    scf.if %cond3A_94 {
      "tpu.region"() ({
        %run_scoped3A = tpu.sem_alloc : memref<!tpu.dma_semaphore, #tpu.memory_space<semaphore_mem>>
        %dma_start3A = arith.constant 0 : i32
        %dma_start3A_101 = arith.constant 0 : i32
        %dma_start3A_102 = tpu.memref_slice %arg4[%dma_start3A, %dma_start3A_101] : memref<16512x128xf32, #tpu.memory_space<hbm>> -> memref<16512x128xf32, #tpu.memory_space<hbm>>
        tpu.enqueue_indirect_dma source(%arg13 : memref<128x128xf32, #tpu.memory_space<vmem>>) target(%dma_start3A_102 : memref<16512x128xf32, #tpu.memory_space<hbm>>) offsets(%arg14 : memref<128xi32, #tpu.memory_space<vmem>>) semaphore(%run_scoped3A : memref<!tpu.dma_semaphore, #tpu.memory_space<semaphore_mem>>)
        %dma_wait3A = arith.constant 0 : i32
        %dma_wait3A_103 = arith.constant 0 : i32
        %dma_wait3A_104 = tpu.memref_slice %arg4[%dma_wait3A, %dma_wait3A_103] : memref<16512x128xf32, #tpu.memory_space<hbm>> -> memref<16512x128xf32, #tpu.memory_space<hbm>>
        tpu.wait_indirect_dma semaphore(%run_scoped3A : memref<!tpu.dma_semaphore, #tpu.memory_space<semaphore_mem>>) src(%arg13 : memref<128x128xf32, #tpu.memory_space<vmem>>) dst(%dma_wait3A_104 : memref<16512x128xf32, #tpu.memory_space<hbm>>)
        tpu.yield
      }) : () -> ()
      %scan3A_95 = arith.constant 0 : i32
      %scan3A_96 = arith.constant 0 : i32
      %scan3A_97 = arith.constant 8 : i32
      %scan3A_98 = arith.addi %scan3A_96, %scan3A_97 : i32
      %scan3A_99 = arith.constant 1 : i32
      scf.for %scan3A_101 = %scan3A_96 to %scan3A_98 step %scan3A_99  : i32 {
        %mul3A_102 = arith.constant 16 : i32
        %mul3A_103 = arith.muli %scan3A_101, %mul3A_102 : i32
        %add3A_104 = arith.constant 16384 : i32
        %add3A_105 = arith.addi %add3A_104, %mul3A_103 : i32
        %add3A_106 = vector.broadcast %add3A_105 : i32 to vector<16xi32>
        %add3A_107 = arith.addi %add3A_106, %iota3A : vector<16xi32>
        %mul3A_108 = arith.constant 16 : i32
        %mul3A_109 = arith.muli %scan3A_101, %mul3A_108 : i32
        %swap3A = arith.index_cast %mul3A_109 : i32 to index
        %swap3A_110 = tpu.vector_load %arg14[%swap3A] {strides = array<i32>} : memref<128xi32, #tpu.memory_space<vmem>>, vector<16xi32>,
        tpu.vector_store %arg14[%swap3A], %add3A_107 {strides = array<i32>} : memref<128xi32, #tpu.memory_space<vmem>>, vector<16xi32>,
      }
      %scan3A_100 = arith.constant 8 : i32
    } else {
    }
    return
  }
}

</mosaic_0001>

<sc_bundles>
// kernel: kernel.3.cloned.1.call-start
scs
__scs_entry_jumppad:
0x0: {  	(pc) =	sbr.rel $0x88, $3  }
0x1: {  	(tag) =	ssettag $0x0;
	lr =	simm.s32 $0x1  }
0x2: {  	[smem:$0x3F9F] =	sst lr;
	_ =	strace $0xD0000000  }
0x3: {  	_ = 	snop  }
0x4: {  	_ = 	snop  }
0x5: {  	_ = 	snop  }
0x6: {  	_ = 	snop  }
0x7: {  	_ = 	snop  }
__scs_overlays_trampoline_lowered:
0x8: {  	[smem:$0x3FAE] =	sst s0  }
0x9: {  	[smem:$0x3FAF] =	sst s1  }
0xa: {  	[smem:$0x3FB0] =	sst s2  }
0xb: {  	[smem:$0x3FB1] =	sst s3  }
0xc: {  	[smem:$0x3FB2] =	sst s4  }
0xd: {  	[smem:$0x3FB3] =	sst s5  }
0xe: {  	[smem:$0x3FB4] =	sst s6  }
0xf: {  	[smem:$0x3FB5] =	sst s7  }
0x10: {  	[smem:$0x3FB6] =	sst s8  }
0x11: {  	[smem:$0x3FB7] =	sst s9;
	s0 =	simm.s32 @!p0 $0x0  }
0x12: {  	s1 =	sld [smem:$0x3F9D];
	s0 =	simm.s32 @p0 $0x1  }
0x13: {  	[smem:$0x3FB8] =	sst s0;
	s0 =	simm.s32 @!p1 $0x0  }
0x14: {  	s2 =	sld [smem:$0x3F9C];
	s0 =	simm.s32 @p1 $0x1  }
0x15: {  	[smem:$0x3FB9] =	sst s0;
	s0 =	simm.s32 @!p2 $0x0  }
0x16: {  	s3 =	sld [smem:$0x3FDB];
	s0 =	simm.s32 @p2 $0x1  }
0x17: {  	s4 =	simm.s32 $0x1BF5;
	[smem:$0x3FBB] =	sst s0  }
0x18: {  	s0 =	sld [smem:$0x3F9E];
	_ =	swait.ge [sflag:s4], $0x0  }
0x19: {  	s7 =	sld [smem:$0x3F9F]  }
0x1a: {  	s8 =	sadd.s32 $0xFFFFE003, lr  }
0x1b: {  	s9 =	sadd.s32 $0xFFFFFEF7, lr;
	s5 =	simm.s32 $0xFFFFFFFF;
	p2 =	slt.u32 s8, $0xFFFFF086  }
0x1c: {  	p1 =	slt.u32 s9, $0xF7A;
	s5 =	simm.s32 @!p2 $0x0  }
0x1d: {  	s5 =	simm.s32 @p1 $0x1;
	p0 =	seq.s32 s7, s2  }
0x1e: {  	s7 =	smul.u32 @!p0 $0xF7A, s2;
	p2 =	seq.s32 @!p0 s5, $0x0  }
0x1f: {  	s9 =	smul.u32 $0xF7A, s1;
	s8 =	simm.s32 @!p0 $0x1BF5;
	p2 =	por !p2, p0  }
0x20: {  	[sflag:s8] =	ssyncset.s32 @!p0 $0xFFFFF086;
	s6 =	sadd.s32 @!p0 s3, s7;
	s7 =	simm.s32 @!p0 $0x108  }
0x21: {  	s3 =	sadd.s32 s3, s9;
	s6 =	sadd.s32 @!p0 $0x88, s6;
	s7 =	simm.s32 @p2 $0x1082  }
0x22: {  	[simem:s7], [sflag:s8] =	dma.local @!p0 [hbm:s6], $0xF7A  }
0x23: {  	s9 =	sor.u32 $0xD0000000, s2;
	s6 =	simm.s32 $0x108;
	_ =	swait.ge @!p0 [sflag:s8], $0x0  }
0x24: {  	s3 =	sadd.s32 $0x88, s3;
	s6 =	simm.s32 @!p1 $0x1082;
	[sflag:s4] =	ssyncset.s32 $0xFFFFF086  }
0x25: {  	[simem:s6], [sflag:s4] =	dma.local [hbm:s3], $0xF7A  }
0x26: {  	[smem:$0x3F9F] =	sst s1;
	(tag) =	ssettag s2;
	_ =	strace s9  }
0x27: {  	s1 =	sld [smem:$0x3FAF]  }
0x28: {  	s2 =	sld [smem:$0x3FB0]  }
0x29: {  	s4 =	sld [smem:$0x3FB2]  }
0x2a: {  	p0 =	seq.s32 s5, $0x0;
	s5 =	sld [smem:$0x3FB3]  }
0x2b: {  	s6 =	sld [smem:$0x3FB4]  }
0x2c: {  	s7 =	sld [smem:$0x3FB5]  }
0x2d: {  	s3 =	simm.s32 $0x108;
	s8 =	sld [smem:$0x3FB6]  }
0x2e: {  	s3 =	simm.s32 @!p0 $0x1082;
	s9 =	sld [smem:$0x3FB7]  }
0x2f: {  	lr =	sadd.s32 s0, s3;
	s0 =	sld [smem:$0x3FAE]  }
0x30: {  	s3 =	sld [smem:$0x3FB1]  }
0x31: {  	[smem:$0x3FBA] =	sst s10  }
0x32: {  	s10 =	sld [smem:$0x3FB8];
	_ =	sdelay $0x3  }
0x33: {  	p0 =	seq.s32 s10, $0x1;
	s10 =	sld [smem:$0x3FBA];
	_ =	sdelay $0x3  }
0x34: {  	[smem:$0x3FBA] =	sst s10  }
0x35: {  	s10 =	sld [smem:$0x3FB9];
	_ =	sdelay $0x3  }
0x36: {  	p1 =	seq.s32 s10, $0x1;
	s10 =	sld [smem:$0x3FBA];
	_ =	sdelay $0x3  }
0x37: {  	[smem:$0x3FBA] =	sst s10  }
0x38: {  	s10 =	sld [smem:$0x3FBB]  }
0x39: {  	_ = 	snop;
	(pc) =	sbr.ind lr, $3  }
0x3a: {  	_ = 	snop  }
0x3b: {  	_ = 	snop  }
0x3c: {  	p2 =	seq.s32 s10, $0x1;
	s10 =	sld [smem:$0x3FBA]  }
0x3d: {  	_ =	shalt  }
0x3e: {  	_ =	shalt  }
0x3f: {  	_ =	shalt  }
0x40: {  	_ =	shalt  }
0x41: {  	_ =	shalt  }
0x42: {  	_ =	shalt  }
0x43: {  	_ =	shalt  }
0x44: {  	_ =	shalt  }
0x45: {  	_ =	shalt  }
0x46: {  	_ =	shalt  }
0x47: {  	_ =	shalt  }
0x48: {  	_ =	shalt  }
0x49: {  	_ =	shalt  }
0x4a: {  	_ =	shalt  }
0x4b: {  	_ =	shalt  }
0x4c: {  	_ =	shalt  }
0x4d: {  	_ =	shalt  }
0x4e: {  	_ =	shalt  }
0x4f: {  	_ =	shalt  }
0x50: {  	_ =	shalt  }
0x51: {  	_ =	shalt  }
0x52: {  	_ =	shalt  }
0x53: {  	_ =	shalt  }
0x54: {  	_ =	shalt  }
0x55: {  	_ =	shalt  }
0x56: {  	_ =	shalt  }
0x57: {  	_ =	shalt  }
0x58: {  	_ =	shalt  }
0x59: {  	_ =	shalt  }
0x5a: {  	_ =	shalt  }
0x5b: {  	_ =	shalt  }
0x5c: {  	_ =	shalt  }
0x5d: {  	_ =	shalt  }
0x5e: {  	_ =	shalt  }
0x5f: {  	_ =	shalt  }
0x60: {  	_ =	shalt  }
0x61: {  	_ =	shalt  }
0x62: {  	_ =	shalt  }
0x63: {  	_ =	shalt  }
0x64: {  	_ =	shalt  }
0x65: {  	_ =	shalt  }
0x66: {  	_ =	shalt  }
0x67: {  	_ =	shalt  }
0x68: {  	_ =	shalt  }
0x69: {  	_ =	shalt  }
0x6a: {  	_ =	shalt  }
0x6b: {  	_ =	shalt  }
0x6c: {  	_ =	shalt  }
0x6d: {  	_ =	shalt  }
0x6e: {  	_ =	shalt  }
0x6f: {  	_ =	shalt  }
0x70: {  	_ =	shalt  }
0x71: {  	_ =	shalt  }
0x72: {  	_ =	shalt  }
0x73: {  	_ =	shalt  }
0x74: {  	_ =	shalt  }
0x75: {  	_ =	shalt  }
0x76: {  	_ =	shalt  }
0x77: {  	_ =	shalt  }
0x78: {  	_ =	shalt  }
0x79: {  	_ =	shalt  }
0x7a: {  	_ =	shalt  }
0x7b: {  	_ =	shalt  }
0x7c: {  	_ =	shalt  }
0x7d: {  	_ =	shalt  }
0x7e: {  	_ =	shalt  }
0x7f: {  	_ =	shalt  }
0x80: {  	_ =	shalt  }
0x81: {  	_ =	shalt  }
0x82: {  	_ =	shalt  }
0x83: {  	_ =	shalt  }
0x84: {  	_ =	shalt  }
0x85: {  	_ =	shalt  }
0x86: {  	_ =	shalt  }
0x87: {  	_ =	shalt  }
.Lfunc_end0:
.L_simem_size_0:
called_computation_lowered:
.L_overlay_start_0:
0x88: {  	s2 =	sld [smem:$0x3FD9]  }
0x89: {  	s3 =	sld [smem:$0x3FFE];
	_ =	sdelay $0x1  }
0x8a: {  	s1 =	srdreg.scid  }
0x8b: {  	s0 =	sand.u32 $0x1, s1  }
0x8c: {  	s17 =	sshll.u32 s0, $0xA;
	s2 =	sadd.s32 s3, s2  }
0x8d: {  	s2 =	sadd.s32 s2, s17  }
0x8e: {  	[smem:$0x3FC6] =	sst s2  }
0x8f: {  	_ = 	snop  }
0x90: {  	s2 =	sld [smem:$0x3FC9]  }
0x91: {  	s18 =	sld [smem:$0x3FC8];
	(tm) =	ssettm $0x1  }
0x92: {  	s4 =	sld [smem:$0x3FFB];
	_ =	sdelay $0x3  }
0x93: {  	_ =	strace s4  }
0x94: {  	s4 =	sld [smem:$0x3FFC];
	_ =	sdelay $0x3  }
0x95: {  	_ =	strace s4  }
0x96: {  	s4 =	sld [smem:$0x3FFD];
	_ =	sdelay $0x3  }
0x97: {  	_ =	strace s4  }
0x98: {  	_ =	strace $0x8FFFFFFF  }
0x99: {  	s19 =	sld [smem:$0x3FDB];
	_ =	sdelay $0x1  }
0x9a: {  	s5 =	simm.s32 $_scs_section_size  }
0x9b: {  	s6 =	simm.s32 $_size__tile_overlayer_lowered;
	s7 =	simm.s32 $_tile_overlayer_lowered  }
0x9c: {  	s22 =	simm.s32 $0x1BFF;
	s21 =	sshll.u32 s7, $0x1;
	s4 =	sadd.s32 s5, s19  }
0x9d: {  	s8 =	simm.s32 $0x0;
	s20 =	sshll.u32 s6, $0x1;
	s6 =	sadd.s32 s21, s4  }
0x9e: {  	[timem:s8], [sflag:s22] =	dma.local [hbm:s6], s20  }
0x9f: {  	_ =	swait.ge [sflag:s22], s20  }
0xa0: {  	s5 =	ssub.s32 $0x0, s20;
	[sflag:s22] =	ssyncset.done $0x0  }
0xa1: {  	[sflag:s22] =	ssyncadd.s32 s5;
	_ =	sdelay $0x1  }
0xa2: {  	s23 =	simm.s32 $0x1B8B  }
0xa3: {  	_ =	swait.ge [sflag:s23], $0x1  }
0xa4: {  	[sflag:s23] =	ssyncset.done $0x0  }
0xa5: {  	s25 =	simm.s32 $0x1B8E;
	s24 =	sld [smem:$0x3FFE];
	[sflag:s23] =	ssyncadd.s32 $0xFFFFFFFF  }
0xa6: {  	s26 =	simm.s32 $execute0_lowered;
	[smem:$0x3FD2] =	sst s25  }
0xa7: {  	s6 =	sshll.u32 s26, $0x1;
	_ =	strace $0x80000046;
	[dreg:$0x1] =	wrdreg $0xFFFFFFFF  }
0xa8: {  	s28 =	simm.s32 $_size_execute0_lowered;
	s4 =	sadd.s32 s4, s6;
	[dreg:$0x0] =	wrdreg $0x0  }
0xa9: {  	s6 =	sshll.u32 s28, $0x1;
	[dreg:$0x2] =	wrdreg s4  }
0xaa: {  	[dreg:$0x3] =	wrdreg s6  }
0xab: {  	[dreg:$0x4] =	wrdreg $0xC0  }
0xac: {  	_ =	task [dreg:s8], $0x5FFFF  }
0xad: {  	[dreg:$0x1] =	wrdreg $0xFFFFFFFF  }
0xae: {  	[dreg:$0x0] =	wrdreg $0x60  }
0xaf: {  	[dreg:$0x2] =	wrdreg s2  }
0xb0: {  	[dreg:$0x3] =	wrdreg s18  }
0xb1: {  	[dreg:$0x4] =	wrdreg s24  }
0xb2: {  	[dreg:$0x5] =	wrdreg $0x9  }
0xb3: {  	_ =	task.clear_ibuf [dreg:s8], $0x6FFFF;
	_ =	strace $0x90000046  }
0xb4: {  	s29 =	simm.s32 $0x9;
	_ =	strace $0x80000048  }
0xb5: {  	_ =	swait.ge [sflag:s29], $0x1  }
0xb6: {  	[sflag:s29] =	ssyncadd.s32 $0xFFFFFFFF  }
0xb7: {  	_ =	strace $0x90000048  }
0xb8: {  	_ =	sfence  }
0xb9: {  	s30 =	sld [smem:$0x0];
	_ =	sdelay $0x2  }
0xba: {  	s31 =	sshll.u32 s1, $0xD;
	s1 =	sshrl.u32 s1, $0x2  }
0xbb: {  	s3 =	sand.u32 $0x4000, s31;
	s1 =	sadd.s32 s1, s30  }
0xbc: {  	s0 =	sor.u32 s3, s0;
	s1 =	sshll.u32 s1, $0x11  }
0xbd: {  	s0 =	sor.u32 s1, s0  }
0xbe: {  	s0 =	sadd.s32 $0x8F2B, s0  }
0xbf: {  	[sflag:s0] =	ssyncadd.remote.s32 $0x1  }
0xc0: {  	_ =	sfence.sel $0xFFFF  }
0xc1: {  	[dreg:$0x0] =	wrdreg $0xFFFFFFFF;
	(pc) =	sbr.abs _section_cstart, $3  }
0xc2: {  	[dreg:$0x1] =	wrdreg $0xFFFFFFFF  }
0xc3: {  	_ =	task.clear_ibuf [dreg:s8], $0x2FFFF;
	_ =	strace $0x9FFFFFFF  }
0xc4: {  	(tm) =	ssettm $0x7FFFFFFF  }
0xc5: {  	_ =	shalt  }
tec
execute0_lowered:
.L_overlay_start_1:
0x0: {  	(tag) =	ssettag $0x1  }
0x1: {  	s1 =	srdreg.scid;
	v1 =	vlaneseq.u32;
	s3 =	rddreg [dreg:$0x1];
	v11 =	vimm.s32 $0x0;
	vm2 =	vcmask $0x3F04  }
0x2: {  	s0 =	stileid.u32;
	s7 =	rddreg [dreg:$0x2];
	vm3 =	vcmask $0x3F08;
	vm4 =	vcmask $0x3F0C;
	vm5 =	vcmask $0x3F10  }
0x3: {  	s4 =	rddreg [dreg:$0x3];
	s5 =	simm.s32 $0x0;
	vm6 =	vcmask $0x3F14;
	vm7 =	vcmask $0x3F18;
	vm8 =	vcmask $0x3F1C;
	s9 =	simm.s32 $0xC400  }
0x4: {  	vm14 =	vcmask $0x3F20;
	vm10 =	vcmask $0x3F24;
	vm11 =	vcmask $0x3F28;
	s10 =	simm.s32 $0x8080;
	s6 =	sand.u32 $0x1, s1;
	s31 =	sshll.u32 s0, $0x1  }
0x5: {  	vm12 =	vcmask $0x3F2C;
	vm13 =	vcmask $0x3F30;
	vm9 =	vcmask $0x3F38;
	s11 =	simm.s32 $0x400;
	s12 =	simm.s32 $0x1;
	s1 =	sor.u32 s6, s31  }
0x6: {  	v13 =	vimm.s32 $0x1;
	s13 =	simm.s32 $0x7A1400;
	s14 =	simm.s32 $0xC700;
	v3 =	vor.u32 $0x4000, v1;
	v4 =	vor.u32 $0x4010, v1;
	s1 =	smul.u32 $0xF5, s1  }
.Ltmp0:
0x7: {  	s15 =	simm.s32 $0x14700;
	v5 =	vor.u32 $0x4020, v1;
	v6 =	vor.u32 $0x4030, v1;
	v7 =	vor.u32 $0x4040, v1;
	s6 =	ssub.s32 $0x2, s6;
	(pc) =	sbr.rel .LBB2_1-.Ltmp0, $4  }
0x8: {  	s16 =	simm.s32 $0x18700;
	s17 =	simm.s32 $0x0;
	v8 =	vor.u32 $0x4050, v1;
	v9 =	vor.u32 $0x4060, v1;
	v12 =	vmul.u32 $0x80, v1;
	s8 =	sshrl.u32 s6, $0x1  }
0x9: {  	v10 =	vor.u32 $0x4070, v1;
	[smem:$0x7FF] =	sst s5;
	v17 =	vor.u32 $0x10, v1;
	v18 =	vor.u32 $0x20, v1;
	s8 =	ssub.s32 s6, s8;
	s2 =	smin.u32 s1, $0x1D90  }
0xa: {  	v19 =	vor.u32 $0x30, v1;
	v14 =	vor.u32 $0x800, v12;
	v15 =	vor.u32 $0x1000, v12;
	s6 =	sadd.s32 $0x400, s7;
	s7 =	smax.u32 s8, $0x1;
	s2 =	sadd.s32 $0xF5, s2  }
0xb: {  	v16 =	vor.u32 $0x1800, v12;
	v0 =	vmov s1;
	s8 =	simm.s32 $0x2;
	v2 =	vmov s2;
	s2 =	rddreg [dreg:$0x0];
	_ =	strace $0x80000047  }
.LBB2_21:
0xc: {  	s18 =	sand.u32 $0x7F, s19  }
0xd: {  	p0 =	seq.s32 s18, $0x0  }
0xe: {  	s18 =	simm.s32 @!p0 $0x80;
	s19 =	simm.s32 @!p0 $0x18700;
	s20 =	simm.s32 @!p0 $0x14700  }
0xf: {  	[hbm4b:s6+s18] =	stream.indirect.scatter @!p0 [tilespmem:s20], [sflag:$0x2], $0x80, s19, s18, $0xb8;
	[tilespmem:$0x18780] =	vst v63  }
0x10: {  	s18 =	simm.s32 @!p0 $0x2  }
0x11: {  	_ =	swait.ge @!p0 [sflag:s18], $0x4000  }
0x12: {  	v20 =	vlaneseq.u32 @!p0;
	[sflag:s18] =	ssyncset.done @!p0 $0x0  }
0x13: {  	v21 =	vor.u32 @!p0 $0x4000, v20;
	[sflag:s18] =	ssyncadd.s32 @!p0 $0xFFFFC000  }
0x14: {  	[tilespmem:$0x18700] =	vst @!p0 v21;
	v21 =	vor.u32 @!p0 $0x4010, v20  }
0x15: {  	[tilespmem:$0x18710] =	vst @!p0 v21;
	v21 =	vor.u32 @!p0 $0x4020, v20  }
0x16: {  	[tilespmem:$0x18720] =	vst @!p0 v21;
	v21 =	vor.u32 @!p0 $0x4030, v20  }
0x17: {  	[tilespmem:$0x18730] =	vst @!p0 v21;
	v21 =	vor.u32 @!p0 $0x4040, v20  }
0x18: {  	[tilespmem:$0x18740] =	vst @!p0 v21;
	v21 =	vor.u32 @!p0 $0x4050, v20  }
0x19: {  	[tilespmem:$0x18750] =	vst @!p0 v21;
	v21 =	vor.u32 @!p0 $0x4060, v20  }
0x1a: {  	v20 =	vor.u32 @!p0 $0x4070, v20;
	[tilespmem:$0x18760] =	vst @!p0 v21  }
0x1b: {  	[tilespmem:$0x18770] =	vst @!p0 v20  }
.LBB2_22:
0x1c: {  	s17 =	sadd.s32 $0x1, s17  }
0x1d: {  	p0 =	sne.s32 s17, s7  }
.Ltmp1:
0x1e: {  	_ = 	snop;
	(pc) =	sbr.rel @!p0 .LBB2_23-.Ltmp1, $1  }
0x1f: {  	_ =	sdelay $0x3  }
.LBB2_1:
0x20: {  	[tilespmem:s5], [sflag:$0x2] =	stream.linear.gather [hbm4b:s2+s5], $0x4000, $0x38;
	[tilespmem:$0x18780] =	vst v63  }
0x21: {  	_ =	swait.ge [sflag:s8], $0x4000  }
0x22: {  	[sflag:s8] =	ssyncset.done $0x0  }
0x23: {  	[sflag:s8] =	ssyncadd.s32 $0xFFFFC000  }
0x24: {  	[tilespmem:$0x18700] =	vst v3  }
0x25: {  	[tilespmem:$0x18710] =	vst v4  }
0x26: {  	[tilespmem:$0x18720] =	vst v5  }
0x27: {  	[tilespmem:$0x18730] =	vst v6  }
0x28: {  	[tilespmem:$0x18740] =	vst v7  }
0x29: {  	[tilespmem:$0x18750] =	vst v8  }
0x2a: {  	[tilespmem:$0x18760] =	vst v9  }
0x2b: {  	[tilespmem:$0x18770] =	vst v10  }
0x2c: {  	[tilespmem:$0xC100] =	vst v11  }
0x2d: {  	[tilespmem:$0xC110] =	vst v11  }
0x2e: {  	[tilespmem:$0xC120] =	vst v11  }
0x2f: {  	[tilespmem:$0xC130] =	vst v11  }
0x30: {  	[tilespmem:$0xC140] =	vst v11  }
0x31: {  	[tilespmem:$0xC150] =	vst v11  }
0x32: {  	[tilespmem:$0xC160] =	vst v11  }
0x33: {  	[tilespmem:$0xC170] =	vst v11  }
0x34: {  	[tilespmem:$0xC180] =	vst v11  }
0x35: {  	[tilespmem:$0xC190] =	vst v11  }
0x36: {  	[tilespmem:$0xC1A0] =	vst v11  }
0x37: {  	p2 =	por $0x0, $0x0;
	[tilespmem:$0xC1B0] =	vst v11  }
.Ltmp2:
0x38: {  	[tilespmem:$0xC1C0] =	vst v11;
	(pc) =	sbr.rel @p2 .LBB2_2-.Ltmp2, $4  }
0x39: {  	[tilespmem:$0xC1D0] =	vst v11  }
0x3a: {  	[tilespmem:$0xC1E0] =	vst v11  }
0x3b: {  	[tilespmem:$0xC1F0] =	vst v11  }
0x3c: {  	s19 =	simm.s32 $0x10;
	p0 =	por $0x0, $0x0;
	p1 =	por $0x0, $0x0;
	[tilespmem:$0xC200] =	vst v11  }
0x3d: {  	p2 =	por $0x0, $0x0  }
.Ltmp3:
0x3e: {  	_ = 	snop;
	(pc) =	sbr.rel @p2 .LBB2_4-.Ltmp3, $2  }
0x3f: {  	_ =	sdelay $0x2  }
0x40: {  	v20 =	vld [tilespmem:s5+$0x0];
	s18 =	simm.s32 $0x20;
	p0 =	por $0x1, $0x1  }
0x41: {  	_ =	sdelay $0x3  }
0x42: {  	v21 =	vshrl.u32 v20, $0x7  }
0x43: {  	v22 =	vsub.s32 v21, v0  }
0x44: {  	vm0 =	vge.u32 v21, v0;
	vm15 =	vgt.s32 v22, $0x0  }
0x45: {  	vm1 =	vlt.u32 v21, v2;
	v21 =	vnsel vm15, $0x0, v22;
	v22 =	vmov s5  }
0x46: {  	v21 =	vmin.u32 v21, $0x10F;
	v22 =	vshll.u32 v22, $0x7  }
0x47: {  	v23 =	vshll.u32 v21, $0x15;
	v22 =	vor.u32 v12, v22  }
0x48: {  	v20 =	vand.u32 $0x7F, v20;
	vm0 =	vmand vm0, vm1;
	v22 =	vadd.s32 v22, v23  }
0x49: {  	v20 =	vor.u32 v20, v22;
	v22 =	vmpcnt.ones.xlane vm0;
	_ =	sdelay $0x1  }
0x4a: {  	(v2sf) =	vpush v22, $0x0;
	_ =	sdelay $0x2  }
0x4b: {  	s22 =	simm.s32 $0xC100;
	[tilespmem:s5+$0x4010] =	vst.msk vm0, v20  }
0x4c: {  	p2 =	por $0x0, $0x0;
	[tilespmem:v21+s22+$0x0] =	vst.idx.add.s32.msk vm0, v13  }
.Ltmp4:
0x4d: {  	v20 =	vld [tilespmem:s19+$0x0];
	(pc) =	sbr.rel @p2 .LBB2_6-.Ltmp4, $3  }
0x4e: {  	_ =	sdelay $0x1  }
0x4f: {  	s23 =	simm.s32 $0x30  }
0x50: {  	p1 =	por $0x1, $0x1;
	s21 =	simm.s32 $0x0;
	s20 =	simm.s32 $0x10  }
.LBB2_7:
0x51: {  	p2 =	seq.s32 s23, $0x3FF0;
	v21 =	vshrl.u32 v20, $0x7  }
0x52: {  	v22 =	vsub.s32 v21, v0  }
0x53: {  	vm0 =	vge.u32 v21, v0;
	vm1 =	vlt.u32 v21, v2;
	vm15 =	vgt.s32 v22, $0x0  }
0x54: {  	vm0 =	vmand vm0, vm1;
	v21 =	vnsel vm15, $0x0, v22;
	v22 =	vmov s19;
	s19 =	smov.u32 s18;
	s18 =	smov.u32 s23  }
0x55: {  	v23 =	vmpcnt.ones.xlane vm0;
	v21 =	vmin.u32 v21, $0x10F;
	v22 =	vshll.u32 v22, $0x7  }
0x56: {  	v24 =	vshll.u32 v21, $0x15;
	v22 =	vor.u32 v12, v22;
	s24 =	spop (v2sf)  }
0x57: {  	v20 =	vand.u32 $0x7F, v20;
	v22 =	vadd.s32 v22, v24;
	(v2sf) =	vpush v23, $0x0;
	s21 =	sadd.s32 s21, s24  }
0x58: {  	v20 =	vor.u32 v20, v22  }
0x59: {  	[tilespmem:s21+$0x4010] =	vst.msk vm0, v20  }
0x5a: {  	[tilespmem:v21+s22+$0x0] =	vst.idx.add.s32.msk vm0, v13  }
0x5b: {  	s20 =	sadd.s32 $0x10, s20  }
.Ltmp5:
0x5c: {  	v20 =	vld [tilespmem:s20+$0x0];
	(pc) =	sbr.rel @!p2 .LBB2_7-.Ltmp5, $2  }
0x5d: {  	_ =	sdelay $0x2  }
0x5e: {  	s23 =	sadd.s32 $0x10, s23  }
.LBB2_8:
0x5f: {  	v21 =	vshrl.u32 @p0 v20, $0x7  }
0x60: {  	v22 =	vsub.s32 @p0 v21, v0  }
0x61: {  	vm0 =	vge.u32 @p0 v21, v0;
	vm15 =	vgt.s32 @p0 v22, $0x0  }
0x62: {  	vm1 =	vlt.u32 @p0 v21, v2;
	v21 =	vnsel @p0 vm15, $0x0, v22;
	v22 =	vmov @p0 s19  }
0x63: {  	v21 =	vmin.u32 @p0 v21, $0x10F;
	v22 =	vshll.u32 @p0 v22, $0x7  }
0x64: {  	vm0 =	vmand @p0 vm0, vm1;
	v23 =	vshll.u32 @p0 v21, $0x15;
	v22 =	vor.u32 @p0 v12, v22  }
0x65: {  	v20 =	vand.u32 @p0 $0x7F, v20;
	v22 =	vadd.s32 @p0 v22, v23  }
0x66: {  	s19 =	spop @p1 (v2sf);
	v20 =	vor.u32 @p0 v20, v22;
	v22 =	vmpcnt.ones.xlane @p0 vm0  }
0x67: {  	s19 =	sadd.s32 @p1 s21, s19;
	s21 =	simm.s32 $0x0  }
0x68: {  	s21 =	smov.u32 @p1 s19;
	(v2sf) =	vpush @p0 v22, $0x0  }
0x69: {  	s20 =	sadd.s32 @p0 $0x10, s20;
	s22 =	simm.s32 $0x0;
	s19 =	simm.s32 @p0 $0xC100;
	[tilespmem:s21+$0x4010] =	vst.msk @p0 vm0, v20  }
0x6a: {  	s22 =	smov.u32 @p0 s20;
	[tilespmem:v21+s19+$0x0] =	vst.idx.add.s32.msk @p0 vm0, v13  }
0x6b: {  	v20 =	vld [tilespmem:s22+$0x0];
	_ =	sdelay $0x4  }
0x6c: {  	v21 =	vshrl.u32 v20, $0x7  }
0x6d: {  	vm0 =	vge.u32 v21, v0;
	vm1 =	vlt.u32 v21, v2  }
0x6e: {  	vm0 =	vmand vm0, vm1  }
0x6f: {  	v21 =	vsub.s32 v21, v0;
	v22 =	vmpcnt.ones.xlane vm0  }
0x70: {  	vm1 =	vgt.s32 v21, $0x0  }
0x71: {  	v21 =	vnsel vm1, $0x0, v21;
	(v2sf) =	vpush v22, $0x0;
	v22 =	vmov s18  }
0x72: {  	v21 =	vmin.u32 v21, $0x10F;
	v22 =	vshll.u32 v22, $0x7  }
0x73: {  	v23 =	vshll.u32 v21, $0x15;
	v22 =	vor.u32 v12, v22;
	s18 =	spop @p0 (v2sf)  }
0x74: {  	s19 =	simm.s32 $0x0;
	v20 =	vand.u32 $0x7F, v20;
	v22 =	vadd.s32 v22, v23;
	s18 =	sadd.s32 @p0 s21, s18  }
0x75: {  	v20 =	vor.u32 v20, v22;
	s19 =	smov.u32 @p0 s18  }
0x76: {  	s31 =	simm.s32 $0xC100;
	[tilespmem:s19+$0x4010] =	vst.msk vm0, v20  }
0x77: {  	[tilespmem:v21+s31+$0x0] =	vst.idx.add.s32.msk vm0, v13  }
0x78: {  	v20 =	vld [tilespmem:s31+$0x0];
	_ =	sdelay $0x4  }
0x79: {  	(xrf0) =	vadd.scan.msk.s32 $0xffff, v20;
	_ =	sdelay $0x4  }
0x7a: {  	s18 =	simm.s32 $0x0  }
0x7b: {  	v22 =	vsub.s32 s18, v20;
	vm0 =	vgt.s32 v20, $0x0;
	v21, _, _ =	vpop (xrf0)  }
0x7c: {  	v20 =	vadd.s32 v21, v22;
	v22 =	vmpcnt.ones.xlane vm0;
	_ =	sdelay $0x1  }
0x7d: {  	(v2sf) =	vpush v22, $0x0;
	_ =	sdelay $0x3  }
0x7e: {  	s30 =	spop (v2sf);
	(v2sf) =	vpush v21, $0xF  }
0x7f: {  	s21 =	simm.s32 $0xC280  }
0x80: {  	s20 =	simm.s32 $0xC400;
	[tilespmem:s21+$0x0] =	vst v20  }
0x81: {  	[tilespmem:s20+$0x0] =	vst v20;
	v20 =	vor.u32 s18, v1  }
0x82: {  	s24 =	simm.s32 $0xC110;
	s25 =	simm.s32 $0x20;
	[tilespmem:s18+$0xC580] =	vst.msk vm0, v20  }
0x83: {  	s23 =	simm.s32 $0x0;
	s22 =	simm.s32 $0x10;
	s19 =	sadd.s32 s19, s30;
	v20 =	vld [tilespmem:s24+$0x0]  }
.LBB2_9:
0x84: {  	p0 =	seq.s32 s25, $0x100;
	_ =	sdelay $0x3  }
0x85: {  	vm0 =	vgt.s32 v20, $0x0;
	(xrf0) =	vadd.scan.msk.s32 $0xffff, v20  }
0x86: {  	v21 =	vmpcnt.ones.xlane vm0;
	s26 =	spop (v2sf)  }
0x87: {  	s18 =	sadd.s32 s18, s26  }
0x88: {  	(v2sf) =	vpush v21, $0x0;
	_ =	sdelay $0x1  }
0x89: {  	s26 =	spop (v2sf)  }
0x8a: {  	v21, _, _ =	vpop (xrf0);
	s23 =	sadd.s32 s23, s26  }
0x8b: {  	v20 =	vsub.s32 s23, v20;
	(v2sf) =	vpush v21, $0xF  }
.Ltmp6:
0x8c: {  	s21 =	sadd.s32 $0x10, s21;
	v20 =	vadd.s32 v21, v20;
	(pc) =	sbr.rel @!p0 .LBB2_9-.Ltmp6, $4  }
0x8d: {  	s20 =	sadd.s32 $0x10, s20;
	[tilespmem:s21+$0x0] =	vst v20  }
0x8e: {  	[tilespmem:s20+$0x0] =	vst v20;
	v20 =	vor.u32 s22, v1;
	s22 =	smov.u32 s25  }
0x8f: {  	s24 =	sadd.s32 $0x10, s24;
	[tilespmem:s18+$0xC580] =	vst.msk vm0, v20  }
0x90: {  	s25 =	sadd.s32 $0x10, s25;
	v20 =	vld [tilespmem:s24+$0x0]  }
0x91: {  	_ =	sdelay $0x3  }
0x92: {  	(xrf0) =	vadd.scan.msk.s32 $0xffff, v20;
	_ =	sdelay $0x2  }
0x93: {  	vm0 =	vgt.s32 v20, $0x0  }
0x94: {  	v21 =	vmpcnt.ones.xlane vm0;
	s24 =	spop (v2sf)  }
0x95: {  	s25 =	spop (v2sf)  }
0x96: {  	(v2sf) =	vpush v21, $0x0;
	v63, _, _ =	vpop (xrf0);
	s23 =	sadd.s32 s23, s25  }
0x97: {  	(v2sf) =	vpush v63, $0xF;
	v20 =	vsub.s32 s23, v20  }
0x98: {  	s21 =	sadd.s32 $0x10, s21;
	v20 =	vadd.s32 v63, v20  }
0x99: {  	s20 =	sadd.s32 $0x10, s20;
	[tilespmem:s21+$0x0] =	vst v20  }
0x9a: {  	[tilespmem:s20+$0x0] =	vst v20;
	s20 =	sadd.s32 $0xF, s19  }
0x9b: {  	s29 =	sand.u32 $0xF, s20  }
0x9c: {  	s30 =	sshra.s32 s20, $0x1F;
	p0 =	slt.s32 s20, $0x1;
	p1 =	sne.s32 s29, $0x0  }
0x9d: {  	s31 =	sshrl.u32 s30, $0x1C;
	p0 =	por !p0, !p1  }
0x9e: {  	s21 =	simm.s32 $0x1;
	s20 =	sadd.s32 s31, s20;
	p0 =	por !p0, !p0  }
0x9f: {  	s20 =	sshra.s32 s20, $0x4;
	s21 =	simm.s32 @!p0 $0x0  }
0xa0: {  	s21 =	ssub.s32 s20, s21  }
0xa1: {  	p0 =	slt.s32 s21, $0x1  }
.Ltmp7:
0xa2: {  	_ = 	snop;
	(pc) =	sbr.rel @p0 .LBB2_14-.Ltmp7, $3  }
0xa3: {  	_ =	sdelay $0x1  }
0xa4: {  	s18 =	sadd.s32 s18, s24;
	v20 =	vor.u32 s22, v1;
	s26 =	spop (v2sf)  }
0xa5: {  	[tilespmem:s18+$0xC580] =	vst.msk vm0, v20;
	s18 =	sadd.s32 s18, s26;
	s28 =	spop (v2sf)  }
0xa6: {  	s20 =	simm.s32 $0x4008  }
0xa7: {  	v22 =	vld [tilespmem:s20+$0x7]  }
0xa8: {  	v23 =	vld [tilespmem:s20+$0x6]  }
0xa9: {  	v24 =	vld [tilespmem:s20+$0x2]  }
0xaa: {  	v25 =	vld [tilespmem:s20+$0x1]  }
0xab: {  	v21 =	vld [tilespmem:s20+$0x8]  }
0xac: {  	v27 =	vld [tilespmem:s20+$0x5]  }
0xad: {  	v28 =	vld [tilespmem:s20+$0x4]  }
0xae: {  	v39 =	vld [tilespmem:s20+$0x3]  }
0xaf: {  	v20 =	vmov s19;
	vm15 =	vmmov vm10;
	v43 =	vld [tilespmem:s20+$0x0]  }
0xb0: {  	s19 =	simm.s32 $0x0;
	vm10 =	vmmov vm14;
	vm14 =	vmmov vm6;
	vm6 =	vmmov vm5;
	v45 =	vld [tilespmem:s20+$0xFFFFFFFE]  }
0xb1: {  	vm5 =	vmmov vm4;
	vm4 =	vmmov vm9;
	v29 =	vor.u32 s19, v1;
	v50 =	vld [tilespmem:s20+$0xFFFFFFFA]  }
0xb2: {  	v52 =	vld [tilespmem:s20+$0xFFFFFFFB];
	vm9 =	vlt.s32 v29, v20;
	v23 =	vshrl.u32 v23, $0x15;
	v24 =	vshrl.u32 v24, $0x15  }
0xb3: {  	v25 =	vshrl.u32 v25, $0x15;
	v30 =	vshrl.u32 v21, $0x15;
	v22 =	vshrl.u32 v22, $0x15  }
0xb4: {  	v26 =	vld [tilespmem:s20+$0xFFFFFFFD];
	v40 =	vshrl.u32 v27, $0x15;
	v28 =	vshrl.u32 v28, $0x15;
	v29 =	vshrl.u32 v39, $0x15  }
0xb5: {  	v47 =	vshrl.u32 v43, $0x15;
	v27 =	vshrl.u32 v45, $0x15;
	vm0 =	veq.s32 v30, v22  }
0xb6: {  	v55 =	vshrl.u32 v50, $0x15;
	vm1 =	veq.s32 v30, v23;
	v23 =	vld [tilespmem:s20+$0xFFFFFFFF];
	vm0 =	vmand vm0, vm2  }
0xb7: {  	v58 =	vshrl.u32 v52, $0x15;
	vm1 =	vmand vm1, vm3;
	v41 =	vsel vm0, $0x1, v11  }
0xb8: {  	vm0 =	veq.s32 v30, v40;
	v42 =	vsel vm1, $0x1, v11;
	vm1 =	veq.s32 v30, v28  }
0xb9: {  	v22 =	vshrl.u32 v26, $0x15;
	vm0 =	vmand vm0, vm5;
	vm1 =	vmand vm1, vm6  }
0xba: {  	v26 =	vadd.s32 v41, v42;
	v31 =	vsel vm0, $0x1, v11;
	vm0 =	veq.s32 v30, v25  }
0xbb: {  	v44 =	vsel vm1, $0x1, v11;
	vm1 =	veq.s32 v30, v29;
	v23 =	vshrl.u32 v23, $0x15  }
0xbc: {  	v48 =	vld [tilespmem:s20+$0xFFFFFFFC];
	vm1 =	vmand vm1, vm14;
	vm0 =	vmand vm0, vm8;
	v26 =	vadd.s32 v31, v26  }
0xbd: {  	v46 =	vsel vm1, $0x1, v11;
	vm1 =	veq.s32 v30, v23;
	v23 =	vsel vm0, $0x1, v11  }
0xbe: {  	vm0 =	veq.s32 v30, v24;
	v25 =	vadd.s32 v44, v26;
	vm1 =	vmand vm1, vm15  }
0xbf: {  	vm0 =	vmand vm0, vm7;
	v32 =	vsel vm1, $0x1, v11;
	vm1 =	veq.s32 v30, v47  }
0xc0: {  	v49 =	vsel vm0, $0x1, v11;
	vm0 =	veq.s32 v30, v22;
	v22 =	vmin.u32 v30, $0x10F  }
0xc1: {  	v28 =	vshrl.u32 v48, $0x15;
	v25 =	vadd.s32 v46, v25;
	vm1 =	vmand vm1, vm10  }
0xc2: {  	vm0 =	vmand vm0, vm12;
	v24 =	vadd.s32 v49, v25;
	v51 =	vsel vm1, $0x1, v11  }
0xc3: {  	v54 =	vld [tilespmem:s20+$0xFFFFFFF9];
	vm1 =	veq.s32 v30, v27;
	v53 =	vsel vm0, $0x1, v11;
	v23 =	vadd.s32 v23, v24  }
0xc4: {  	vm0 =	veq.s32 v30, v28;
	vm1 =	vmand vm1, vm11;
	v23 =	vadd.s32 v51, v23  }
0xc5: {  	vm0 =	vmand vm0, vm13;
	v57 =	vsel vm1, $0x1, v11;
	vm1 =	veq.s32 v30, v55;
	v56 =	vld.idx.msk [tilespmem:v22+s9+$0x0], vm9  }
0xc6: {  	v23 =	vadd.s32 v32, v23;
	v59 =	vsel vm0, $0x1, v11;
	vm0 =	veq.s32 v30, v58  }
0xc7: {  	v23 =	vadd.s32 v57, v23;
	vm1 =	vmand vm1, vm4;
	vm4 =	vcmask $0x3F34  }
0xc8: {  	v60 =	vshrl.u32 v54, $0x15;
	v23 =	vadd.s32 v53, v23;
	vm0 =	vmand vm0, vm4  }
0xc9: {  	p0 =	sne.s32 s21, $0x1;
	v62 =	vsel vm1, $0x1, v11;
	vm1 =	vcmask $0x3F3C;
	v23 =	vadd.s32 v59, v23  }
.Ltmp8:
0xca: {  	v61 =	vsel vm0, $0x1, v11;
	vm0 =	veq.s32 v30, v60;
	v23 =	vadd.s32 v56, v23;
	(pc) =	sbr.rel @!p0 .LBB2_13-.Ltmp8, $4  }
0xcb: {  	vm0 =	vmand vm0, vm1;
	v23 =	vadd.s32 v61, v23  }
0xcc: {  	v63 =	vsel vm0, $0x1, v11;
	v23 =	vadd.s32 v62, v23  }
0xcd: {  	v23 =	vadd.s32 v63, v23  }
0xce: {  	s21 =	sadd.s32 $0xFFFFFFFF, s21;
	vm0 =	vgt.s32 v23, $0x0  }
.LBB2_12:
0xcf: {  	v23 =	vnsel vm0, $0x0, v23  }
0xd0: {  	v23 =	vmin.u32 v23, $0x400F;
	_ =	sdelay $0x4  }
0xd1: {  	[tilespmem:v23+s10+$0x0] =	vst.idx.msk vm9, v21  }
0xd2: {  	s20 =	sadd.s32 $0x10, s20;
	[tilespmem:v22+s9+$0x0] =	vst.idx.add.s32.msk vm9, v13  }
0xd3: {  	v22 =	vld [tilespmem:s20+$0x7]  }
0xd4: {  	v23 =	vld [tilespmem:s20+$0x6]  }
0xd5: {  	v24 =	vld [tilespmem:s20+$0x2]  }
0xd6: {  	v21 =	vld [tilespmem:s20+$0x8]  }
0xd7: {  	v25 =	vld [tilespmem:s20+$0x1]  }
0xd8: {  	v28 =	vld [tilespmem:s20+$0xFFFFFFFF]  }
0xd9: {  	v29 =	vld [tilespmem:s20+$0x0]  }
0xda: {  	s19 =	sadd.s32 $0x10, s19;
	v37 =	vimm.s32 $0x0;
	vm10 =	vmmov vm3;
	v44 =	vimm.s32 $0x0;
	v31 =	vld [tilespmem:s20+$0x5]  }
0xdb: {  	vm14 =	vmmov vm7;
	vm15 =	vmmov vm13;
	v30 =	vor.u32 s19, v1;
	v38 =	vld [tilespmem:s20+$0xFFFFFFFE]  }
0xdc: {  	vm13 =	vmmov vm12;
	vm12 =	vmmov vm11;
	vm0 =	vlt.s32 v30, v20;
	v52 =	vld [tilespmem:s20+$0xFFFFFFFB]  }
0xdd: {  	vm11 =	vmmov vm8;
	v30 =	vsel vm0, $0xFFFFFFFF, v37;
	vm9 =	vcmask $0x3F10;
	v27 =	vld [tilespmem:s20+$0xFFFFFFFD]  }
0xde: {  	v23 =	vshrl.u32 v23, $0x15;
	v24 =	vshrl.u32 v24, $0x15;
	v25 =	vshrl.u32 v25, $0x15  }
0xdf: {  	v26 =	vld [tilespmem:s20+$0x4];
	v32 =	vshrl.u32 v21, $0x15;
	v22 =	vshrl.u32 v22, $0x15;
	v28 =	vshrl.u32 v28, $0x15  }
0xe0: {  	v49 =	vld [tilespmem:s20+$0xFFFFFFFA];
	v41 =	vshrl.u32 v29, $0x15;
	v42 =	vshrl.u32 v31, $0x15;
	v43 =	vshrl.u32 v38, $0x15  }
0xe1: {  	v59 =	vshrl.u32 v52, $0x15;
	vm0 =	veq.s32 v32, v22;
	vm1 =	veq.s32 v32, v23  }
0xe2: {  	v22 =	vshrl.u32 v27, $0x15;
	vm4 =	veq.s32 v32, v24;
	vm0 =	vmand vm0, vm2  }
0xe3: {  	vm1 =	vmand vm1, vm3;
	vm2 =	veq.s32 v32, v25;
	vm3 =	veq.s32 v32, v28  }
0xe4: {  	vm5 =	veq.s32 v32, v22;
	v22 =	vshrl.u32 v26, $0x15;
	vm4 =	vmand vm4, vm14  }
0xe5: {  	[tilespmem:$0x1FFE0] =	vst v30;
	v28 =	vshrl.u32 v49, $0x15;
	v39 =	vsel vm0, $0x1, v11;
	v40 =	vsel vm1, $0x1, v11  }
0xe6: {  	v45 =	vld [tilespmem:$0x1FFE0];
	vm1 =	vmand vm2, vm8;
	vm2 =	veq.s32 v32, v41;
	vm0 =	veq.s32 v32, v43  }
0xe7: {  	v23 =	vld [tilespmem:s20+$0x3];
	vm6 =	veq.s32 v32, v22;
	v22 =	vmin.u32 v32, $0x10F;
	vm8 =	veq.s32 v32, v42  }
0xe8: {  	v53 =	vsel vm4, $0x1, v11;
	vm4 =	vcmask $0x3F34;
	v25 =	vadd.s32 v39, v40  }
0xe9: {  	v24 =	vsel vm0, $0xFFFFFFFF, v44;
	vm6 =	vmand vm6, vm9;
	vm0 =	vcmask $0x3F20  }
0xea: {  	vm9 =	vcmask $0x3F0C;
	v50 =	vsel vm1, $0x1, v11;
	vm2 =	vmand vm2, vm0  }
0xeb: {  	[tilespmem:$0x1FFF0] =	vst v24;
	vm8 =	vmand vm8, vm9;
	vm9 =	vnez.u8 v45;
	vm0 =	vcmask $0x3F14  }
0xec: {  	v47 =	vsel vm6, $0x1, v11;
	v23 =	vshrl.u32 v23, $0x15;
	v46 =	vsel vm8, $0x1, v11;
	v57 =	vld [tilespmem:$0x1FFF0]  }
0xed: {  	vm8 =	vmmov vm11;
	vm11 =	vmmov vm12;
	vm7 =	veq.s32 v32, v23;
	v23 =	vld [tilespmem:s20+$0xFFFFFFFC]  }
0xee: {  	vm12 =	vmmov vm13;
	v54 =	vsel vm2, $0x1, v11;
	vm2 =	veq.s32 v32, v28  }
0xef: {  	v24 =	vadd.s32 v46, v25;
	vm5 =	vmand vm5, vm12;
	vm7 =	vmand vm7, vm0  }
0xf0: {  	vm0 =	vcmask $0x3F24;
	v24 =	vadd.s32 v47, v24;
	v48 =	vsel vm7, $0x1, v11  }
0xf1: {  	v55 =	vsel vm5, $0x1, v11;
	vm3 =	vmand vm3, vm0;
	v24 =	vadd.s32 v48, v24  }
0xf2: {  	v24 =	vadd.s32 v53, v24;
	vm0 =	vnez.u8 v57;
	v23 =	vshrl.u32 v23, $0x15  }
0xf3: {  	v24 =	vadd.s32 v50, v24;
	vm0 =	vmand vm0, vm11;
	vm1 =	veq.s32 v32, v23;
	v23 =	vld [tilespmem:s20+$0xFFFFFFF9]  }
0xf4: {  	v51 =	vsel vm3, $0x1, v11;
	v56 =	vld.idx.msk [tilespmem:v22+s9+$0x0], vm9;
	v24 =	vadd.s32 v54, v24;
	v58 =	vsel vm0, $0x1, v11  }
0xf5: {  	v24 =	vadd.s32 v51, v24;
	vm0 =	vmand vm1, vm15;
	vm1 =	vcmask $0x3F38  }
0xf6: {  	v24 =	vadd.s32 v58, v24;
	v60 =	vsel vm0, $0x1, v11;
	vm0 =	veq.s32 v32, v59  }
0xf7: {  	vm1 =	vmand vm2, vm1;
	v24 =	vadd.s32 v55, v24;
	vm0 =	vmand vm0, vm4  }
0xf8: {  	p0 =	sne.s32 s21, $0x1;
	vm4 =	vcmask $0x3F3C;
	v24 =	vadd.s32 v60, v24;
	v23 =	vshrl.u32 v23, $0x15  }
.Ltmp9:
0xf9: {  	v61 =	vsel vm0, $0x1, v11;
	vm0 =	veq.s32 v32, v23;
	v23 =	vadd.s32 v56, v24;
	(pc) =	sbr.rel @p0 .LBB2_12-.Ltmp9, $4  }
0xfa: {  	v62 =	vsel vm1, $0x1, v11;
	vm0 =	vmand vm0, vm4;
	v23 =	vadd.s32 v61, v23  }
0xfb: {  	v63 =	vsel vm0, $0x1, v11;
	v23 =	vadd.s32 v62, v23  }
0xfc: {  	vm13 =	vmmov vm15;
	vm7 =	vmmov vm14;
	v23 =	vadd.s32 v63, v23  }
0xfd: {  	s21 =	sadd.s32 $0xFFFFFFFF, s21;
	vm3 =	vmmov vm10;
	vm2 =	vcmask $0x3F04;
	vm0 =	vgt.s32 v23, $0x0  }
.LBB2_13:
0xfe: {  	v20 =	vnsel vm0, $0x0, v23  }
0xff: {  	v20 =	vmin.u32 v20, $0x400F;
	_ =	sdelay $0x4  }
0x100: {  	vm4 =	vcmask $0x3F0C;
	vm5 =	vcmask $0x3F10;
	vm6 =	vcmask $0x3F14;
	[tilespmem:v20+s10+$0x0] =	vst.idx.msk vm9, v21  }
0x101: {  	vm14 =	vcmask $0x3F20;
	vm10 =	vcmask $0x3F24;
	[tilespmem:v22+s9+$0x0] =	vst.idx.add.s32.msk vm9, v13;
	vm9 =	vcmask $0x3F38  }
.LBB2_14:
0x102: {  	p0 =	slt.s32 s18, $0x1  }
.Ltmp10:
0x103: {  	_ = 	snop;
	(pc) =	sbr.rel @p0 .LBB2_22-.Ltmp10, $1  }
0x104: {  	_ =	sdelay $0x3  }
0x105: {  	v20 =	vld [tilespmem:$0xC580];
	_ =	sdelay $0x4  }
0x106: {  	(v2sf) =	vpush v20, $0x0;
	_ =	sdelay $0xe  }
0x107: {  	s19 =	spop (v2sf)  }
0x108: {  	s19 =	sadd.s32 s1, s19  }
0x109: {  	s19 =	sshll.u32 s19, $0x7  }
0x10a: {  	s19 =	sand.u32 $0x1FFFFF80, s19  }
0x10b: {  	p0 =	seq.s32 s18, $0x1;
	s19 =	sadd.s32 s3, s19  }
0x10c: {  	[tilespmem:s14], [sflag:$0x1] =	stream.strided.gather [hbm4b:s19+s11], $0x2000, s13, s11, $0x38;
	[tilespmem:$0x18780] =	vst v63  }
0x10d: {  	v20 =	vld @!p0 [tilespmem:$0xC581];
	_ =	sdelay $0x4  }
0x10e: {  	(v2sf) =	vpush @!p0 v20, $0x0;
	_ =	sdelay $0xe  }
0x10f: {  	s19 =	spop @!p0 (v2sf)  }
0x110: {  	s19 =	sadd.s32 @!p0 s1, s19  }
0x111: {  	s20 =	simm.s32 @!p0 $0x400;
	s19 =	sshll.u32 @!p0 s19, $0x7  }
0x112: {  	s21 =	simm.s32 @!p0 $0x7A1400;
	s19 =	sand.u32 @!p0 $0x1FFFFF80, s19  }
0x113: {  	s22 =	simm.s32 @!p0 $0xE700;
	p1 =	slt.u32 @!p0 s18, $0x3;
	s19 =	sadd.s32 @!p0 s3, s19  }
0x114: {  	[tilespmem:s22], [sflag:$0x1] =	stream.strided.gather @!p0 [hbm4b:s19+s20], $0x2000, s21, s20, $0x38;
	[tilespmem:$0x18780] =	vst v63  }
0x115: {  	p0 =	por p1, p0  }
0x116: {  	v20 =	vld @!p0 [tilespmem:$0xC582];
	_ =	sdelay $0x4  }
0x117: {  	(v2sf) =	vpush @!p0 v20, $0x0;
	_ =	sdelay $0xe  }
0x118: {  	s19 =	spop @!p0 (v2sf)  }
0x119: {  	s19 =	sadd.s32 @!p0 s1, s19  }
.Ltmp11:
0x11a: {  	s19 =	sshll.u32 @!p0 s19, $0x7;
	(pc) =	sbr.rel .LBB2_16-.Ltmp11, $4  }
0x11b: {  	s20 =	simm.s32 @!p0 $0x400;
	s19 =	sand.u32 @!p0 $0x1FFFFF80, s19  }
0x11c: {  	s21 =	simm.s32 @!p0 $0x7A1400;
	s22 =	simm.s32 @!p0 $0x10700;
	s19 =	sadd.s32 @!p0 s3, s19  }
0x11d: {  	[tilespmem:s22], [sflag:$0x1] =	stream.strided.gather @!p0 [hbm4b:s19+s20], $0x2000, s21, s20, $0x38;
	[tilespmem:$0x18780] =	vst v63  }
0x11e: {  	s19 =	simm.s32 $0x0;
	s20 =	simm.s32 $0x0  }
.LBB2_19:
0x11f: {  	_ =	sdelay $0x3  }
0x120: {  	[tilespmem:v33+s15+$0x0] =	vst.idx.msk $0xffff, v34;
	v20 =	vmov s23  }
0x121: {  	s21 =	simm.s32 @!p1 $0x2;
	[tilespmem:v24+s16+$0x0] =	vst.idx.msk $0xffff, v20  }
0x122: {  	[hbm4b:s6+s24] =	stream.indirect.scatter @!p1 [tilespmem:s26], [sflag:$0x2], $0x80, s25, s24, $0xb8;
	[tilespmem:$0x18780] =	vst v63  }
0x123: {  	_ =	swait.ge @!p1 [sflag:s21], $0x4000  }
0x124: {  	[sflag:s21] =	ssyncset.done @!p1 $0x0  }
0x125: {  	[sflag:s21] =	ssyncadd.s32 @!p1 $0xFFFFC000  }
0x126: {  	[tilespmem:$0x18700] =	vst @!p1 v28  }
0x127: {  	[tilespmem:$0x18770] =	vst @!p1 v30  }
0x128: {  	[tilespmem:$0x18760] =	vst @!p1 v26  }
0x129: {  	[tilespmem:$0x18750] =	vst @!p1 v32  }
0x12a: {  	[tilespmem:$0x18740] =	vst @!p1 v29  }
0x12b: {  	[tilespmem:$0x18730] =	vst @!p1 v25  }
0x12c: {  	[tilespmem:$0x18720] =	vst @!p1 v31  }
0x12d: {  	s19 =	sadd.s32 $0x1, s19;
	[tilespmem:$0x18710] =	vst @!p1 v27  }
.LBB2_20:
0x12e: {  	s20 =	sadd.s32 $0x1, s20  }
0x12f: {  	p0 =	sne.s32 s20, s18  }
.Ltmp12:
0x130: {  	_ = 	snop;
	(pc) =	sbr.rel @!p0 .LBB2_21-.Ltmp12, $1  }
0x131: {  	_ =	sdelay $0x3  }
.LBB2_16:
0x132: {  	s21 =	sadd.s32 $0x3, s20  }
0x133: {  	p0 =	sge.s32 s21, s18  }
0x134: {  	v20 =	vld @!p0 [tilespmem:s21+$0xC580];
	_ =	sdelay $0x4  }
0x135: {  	(v2sf) =	vpush @!p0 v20, $0x0;
	_ =	sdelay $0xa  }
0x136: {  	s22 =	sshra.s32 @!p0 s21, $0x1F  }
0x137: {  	s22 =	sshrl.u32 @!p0 s22, $0x1E  }
0x138: {  	s22 =	sadd.s32 @!p0 s22, s21  }
0x139: {  	s22 =	sand.u32 @!p0 $0x1FFFC, s22  }
0x13a: {  	s21 =	ssub.s32 @!p0 s21, s22;
	s22 =	spop @!p0 (v2sf)  }
0x13b: {  	s22 =	sadd.s32 @!p0 s1, s22  }
0x13c: {  	s21 =	sshll.u32 @!p0 s21, $0xF;
	s22 =	sshll.u32 @!p0 s22, $0x7  }
0x13d: {  	s23 =	simm.s32 @!p0 $0x400;
	s21 =	sshra.s32 @!p0 s21, $0x2;
	s22 =	sand.u32 @!p0 $0x1FFFFF80, s22  }
0x13e: {  	s24 =	simm.s32 @!p0 $0x7A1400;
	s21 =	sadd.s32 @!p0 $0xC700, s21;
	s22 =	sadd.s32 @!p0 s3, s22  }
0x13f: {  	[tilespmem:s21], [sflag:$0x1] =	stream.strided.gather @!p0 [hbm4b:s22+s23], $0x2000, s24, s23, $0x38;
	[tilespmem:$0x18780] =	vst v63  }
0x140: {  	_ =	swait.ge [sflag:s12], $0x2000  }
0x141: {  	[sflag:s12] =	ssyncset.done $0x0  }
0x142: {  	[sflag:s12] =	ssyncadd.s32 $0xFFFFE000  }
0x143: {  	v20 =	vld [tilespmem:s20+$0xC580];
	_ =	sdelay $0x4  }
0x144: {  	(v2sf) =	vpush v20, $0x0;
	_ =	sdelay $0xe  }
0x145: {  	s21 =	spop (v2sf)  }
0x146: {  	v20 =	vld [tilespmem:s21+$0xC100];
	_ =	sdelay $0x4  }
0x147: {  	(v2sf) =	vpush v20, $0x0;
	_ =	sdelay $0xe  }
0x148: {  	s22 =	spop (v2sf)  }
0x149: {  	p0 =	slt.s32 s22, $0x1  }
.Ltmp13:
0x14a: {  	_ = 	snop;
	(pc) =	sbr.rel @p0 .LBB2_20-.Ltmp13, $1  }
0x14b: {  	_ =	sdelay $0x3  }
0x14c: {  	v20 =	vld [tilespmem:s21+$0xC280];
	_ =	sdelay $0x4  }
0x14d: {  	(v2sf) =	vpush v20, $0x0;
	_ =	sdelay $0xe  }
0x14e: {  	s30 =	spop (v2sf)  }
0x14f: {  	s21 =	sadd.s32 $0x8080, s30  }
0x150: {  	v20 =	vld [tilespmem:s21+$0x0];
	_ =	sdelay $0x4  }
0x151: {  	(v2sf) =	vpush v20, $0x0;
	_ =	sdelay $0xd  }
0x152: {  	s23 =	sand.u32 $0x3, s20  }
0x153: {  	s24 =	sshra.s32 s19, $0x1F;
	s23 =	sshll.u32 s23, $0xD;
	s25 =	spop (v2sf)  }
0x154: {  	s24 =	sshrl.u32 s24, $0x19;
	v20 =	vor.u32 s23, v12;
	s26 =	sand.u32 $0x7F, s25  }
0x155: {  	s24 =	sadd.s32 s24, s19;
	v22 =	vor.u32 s26, v20  }
0x156: {  	s24 =	sand.u32 $0xFFFFFF80, s24  }
0x157: {  	s24 =	ssub.s32 s19, s24  }
0x158: {  	v24 =	vmov s24  }
0x159: {  	v25 =	vshll.u32 v24, $0x7  }
0x15a: {  	v21 =	vor.u32 s23, v14;
	v23 =	vor.u32 v1, v25;
	v22 =	vld.idx.msk [tilespmem:v22+s14+$0x0], $0xffff  }
0x15b: {  	v26 =	vor.u32 s26, v21;
	_ =	sdelay $0x3  }
0x15c: {  	[tilespmem:v23+s15+$0x0] =	vst.idx.msk $0xffff, v22  }
0x15d: {  	v22 =	vor.u32 s23, v15;
	v23 =	vld.idx.msk [tilespmem:v26+s14+$0x0], $0xffff;
	v26 =	vor.u32 v17, v25  }
0x15e: {  	v27 =	vor.u32 s26, v22;
	_ =	sdelay $0x3  }
0x15f: {  	[tilespmem:v26+s15+$0x0] =	vst.idx.msk $0xffff, v23  }
0x160: {  	v29 =	vor.u32 v18, v25;
	v23 =	vor.u32 s23, v16;
	v27 =	vld.idx.msk [tilespmem:v27+s14+$0x0], $0xffff  }
0x161: {  	v31 =	vor.u32 s26, v23;
	_ =	sdelay $0x1  }
0x162: {  	s22 =	sadd.s32 $0xFFFFFFFF, s22  }
0x163: {  	p0 =	sne.s32 s22, $0x0  }
.Ltmp14:
0x164: {  	p1 =	sne.s32 s24, $0x7F;
	[tilespmem:v29+s15+$0x0] =	vst.idx.msk $0xffff, v27;
	(pc) =	sbr.rel @!p0 .LBB2_19-.Ltmp14, $4  }
0x165: {  	v35 =	vlaneseq.u32 @!p1;
	v33 =	vor.u32 v19, v25;
	v34 =	vld.idx.msk [tilespmem:v31+s14+$0x0], $0xffff  }
0x166: {  	v28 =	vor.u32 @!p1 $0x4000, v35;
	v30 =	vor.u32 @!p1 $0x4070, v35  }
0x167: {  	s24 =	simm.s32 @!p1 $0x80;
	v32 =	vor.u32 @!p1 $0x4050, v35;
	s31 =	sshrl.u32 s25, $0x7;
	v25 =	vor.u32 @!p1 $0x4030, v35;
	v26 =	vor.u32 @!p1 $0x4060, v35  }
0x168: {  	s25 =	simm.s32 @!p1 $0x18700;
	s23 =	sand.u32 $0x3FFF, s31;
	s26 =	simm.s32 @!p1 $0x14700;
	v29 =	vor.u32 @!p1 $0x4040, v35;
	v27 =	vor.u32 @!p1 $0x4010, v35;
	v31 =	vor.u32 @!p1 $0x4020, v35  }
.LBB2_18:
0x169: {  	s22 =	sadd.s32 $0xFFFFFFFF, s22;
	s19 =	sadd.s32 $0x1, s19;
	s21 =	sadd.s32 $0x1, s21  }
0x16a: {  	p0 =	sne.s32 s22, $0x0;
	[tilespmem:v33+s15+$0x0] =	vst.idx.msk $0xffff, v34;
	v33 =	vmov s23  }
0x16b: {  	s23 =	simm.s32 @!p1 $0x2;
	[tilespmem:v24+s16+$0x0] =	vst.idx.msk $0xffff, v33  }
0x16c: {  	[hbm4b:s6+s24] =	stream.indirect.scatter @!p1 [tilespmem:s26], [sflag:$0x2], $0x80, s25, s24, $0xb8;
	[tilespmem:$0x18780] =	vst v63  }
0x16d: {  	_ =	swait.ge @!p1 [sflag:s23], $0x4000  }
0x16e: {  	[sflag:s23] =	ssyncset.done @!p1 $0x0  }
0x16f: {  	[sflag:s23] =	ssyncadd.s32 @!p1 $0xFFFFC000  }
0x170: {  	[tilespmem:$0x18700] =	vst @!p1 v28  }
0x171: {  	[tilespmem:$0x18770] =	vst @!p1 v30  }
0x172: {  	[tilespmem:$0x18760] =	vst @!p1 v26  }
0x173: {  	[tilespmem:$0x18750] =	vst @!p1 v32  }
0x174: {  	[tilespmem:$0x18740] =	vst @!p1 v29  }
0x175: {  	[tilespmem:$0x18730] =	vst @!p1 v25  }
0x176: {  	[tilespmem:$0x18720] =	vst @!p1 v31  }
0x177: {  	[tilespmem:$0x18710] =	vst @!p1 v27  }
0x178: {  	v24 =	vld [tilespmem:s21+$0x0];
	_ =	sdelay $0x4  }
0x179: {  	(v2sf) =	vpush v24, $0x0;
	_ =	sdelay $0x8  }
0x17a: {  	s23 =	sshra.s32 s19, $0x1F  }
0x17b: {  	s23 =	sshrl.u32 s23, $0x19  }
0x17c: {  	s23 =	sadd.s32 s23, s19  }
0x17d: {  	s23 =	sand.u32 $0xFFFFFF80, s23  }
0x17e: {  	s24 =	ssub.s32 s19, s23  }
0x17f: {  	v24 =	vmov s24  }
0x180: {  	v25 =	vshll.u32 v24, $0x7;
	s23 =	spop (v2sf)  }
0x181: {  	v26 =	vor.u32 v1, v25;
	s25 =	sshrl.u32 s23, $0x7;
	s26 =	sand.u32 $0x7F, s23  }
0x182: {  	s23 =	sand.u32 $0x3FFF, s25;
	v27 =	vor.u32 s26, v20;
	v28 =	vor.u32 s26, v21;
	_ =	sdelay $0x4  }
0x183: {  	v27 =	vld.idx.msk [tilespmem:v27+s14+$0x0], $0xffff;
	_ =	sdelay $0x1  }
0x184: {  	v29 =	vor.u32 s26, v22;
	_ =	sdelay $0x3  }
0x185: {  	[tilespmem:v26+s15+$0x0] =	vst.idx.msk $0xffff, v27  }
0x186: {  	v26 =	vld.idx.msk [tilespmem:v28+s14+$0x0], $0xffff  }
0x187: {  	v27 =	vor.u32 v17, v25;
	v28 =	vor.u32 v18, v25  }
0x188: {  	v30 =	vor.u32 s26, v23;
	_ =	sdelay $0x3  }
0x189: {  	[tilespmem:v27+s15+$0x0] =	vst.idx.msk $0xffff, v26  }
0x18a: {  	v26 =	vld.idx.msk [tilespmem:v29+s14+$0x0], $0xffff;
	_ =	sdelay $0x5  }
.Ltmp15:
0x18b: {  	p1 =	sne.s32 s24, $0x7F;
	[tilespmem:v28+s15+$0x0] =	vst.idx.msk $0xffff, v26;
	(pc) =	sbr.rel @p0 .LBB2_18-.Ltmp15, $4  }
0x18c: {  	v31 =	vlaneseq.u32 @!p1;
	s24 =	simm.s32 @!p1 $0x80;
	v33 =	vor.u32 v19, v25;
	s25 =	simm.s32 @!p1 $0x18700;
	s26 =	simm.s32 @!p1 $0x14700;
	v34 =	vld.idx.msk [tilespmem:v30+s14+$0x0], $0xffff  }
0x18d: {  	v28 =	vor.u32 @!p1 $0x4000, v31;
	v26 =	vor.u32 @!p1 $0x4060, v31;
	v30 =	vor.u32 @!p1 $0x4070, v31  }
0x18e: {  	v32 =	vor.u32 @!p1 $0x4050, v31;
	v25 =	vor.u32 @!p1 $0x4030, v31;
	v29 =	vor.u32 @!p1 $0x4040, v31  }
0x18f: {  	v27 =	vor.u32 @!p1 $0x4010, v31;
	v31 =	vor.u32 @!p1 $0x4020, v31  }
.Ltmp16:
0x190: {  	_ = 	snop;
	(pc) =	sbr.rel .LBB2_19-.Ltmp16, $1  }
0x191: {  	_ =	sdelay $0x3  }
.LBB2_2:
.Ltmp17:
0x192: {  	(pc) =	sbr.rel .LBB2_8-.Ltmp17, $2  }
0x193: {  	_ =	sdelay $0x2  }
0x194: {  	s18 =	simm.s32 $0x0;
	s21 =	simm.s32 $0x0;
	s20 =	simm.s32 $0x0  }
.LBB2_4:
.Ltmp18:
0x195: {  	(pc) =	sbr.rel .LBB2_8-.Ltmp18, $3  }
0x196: {  	_ =	sdelay $0x1  }
0x197: {  	s19 =	simm.s32 $0x0  }
0x198: {  	s18 =	simm.s32 $0x10;
	s21 =	simm.s32 $0x0;
	s20 =	simm.s32 $0x0  }
.LBB2_6:
.Ltmp19:
0x199: {  	(pc) =	sbr.rel .LBB2_8-.Ltmp19, $2  }
0x19a: {  	_ =	sdelay $0x2  }
0x19b: {  	s21 =	simm.s32 $0x0;
	s20 =	simm.s32 $0x10  }
.LBB2_23:
0x19c: {  	_ =	sfence.sel $0x180000  }
0x19d: {  	[bflag:$0x0] =	sbarrier.arrive $0xFFFF  }
0x19e: {  	p0 =	sne.s32 s0, $0x0;
	_ =	strace $0x90000047  }
0x19f: {  	s0 =	sadd.s32 @!p0 $0x100000, s4;
	[bflag:$0x2] =	sbarrier.arrive $0xFFFF  }
0x1a0: {  	[sflag:s0] =	ssyncadd.tile.s32 @!p0 $0x1;
	_ =	shalt  }
.Lfunc_end2:
_tile_overlayer_lowered:
.L_overlay_start_2:
0x1a1: {  	(tag) =	ssettag $0x2  }
0x1a2: {  	s0 =	rddreg [dreg:$0x0];
	s2 =	stileid.u32  }
0x1a3: {  	s1 =	rddreg [dreg:$0x1];
	p0 =	sne.s32 s2, $0x0  }
0x1a4: {  	s3 =	rddreg [dreg:$0x2];
	[bflag:$0x3] =	sbarrier.arrive $0xFFFF;
	s2 =	simm.s32 @!p0 $0x1C02  }
0x1a5: {  	[timem:s3], [sflag:s2] =	dma.local @!p0 [hbm:s0], s1  }
0x1a6: {  	s0 =	simm.s32 @!p0 $0x2  }
0x1a7: {  	_ =	swait.ge @!p0 [sflag:s0], s1  }
0x1a8: {  	s1 =	ssub.s32 @!p0 $0x0, s1;
	[sflag:s0] =	ssyncset.done @!p0 $0x0  }
0x1a9: {  	[sflag:s0] =	ssyncadd.s32 @!p0 s1  }
0x1aa: {  	[bflag:$0x3] =	sbarrier.arrive $0xFFFF  }
0x1ab: {  	_ =	shalt  }

</sc_bundles>
